<compile_context>
chip_gen: v7x
topology: tpu7x:2x2x1
jax: 0.10.2.dev20260603
libtpu: 0.0.44.dev20260713+nightly
codegen_flags: <defaults>
</compile_context>

<pallas_src>
import functools

import jax
import jax.numpy as jnp
from jax import lax
from jax.experimental import pallas as pl
from jax.experimental.pallas import tpu as pltpu
from jax.experimental.pallas import tpu_sc as plsc

N = 10000
E = 320000
DIN = 128
H2 = 128
H = 64
O = 2

NC, NS, L = 2, 16, 16
NW = NC * NS
CHUNK = 128
EP = 327680
NCH = EP // CHUNK
ROWS_W = NCH // NW
G = 16
NG = ROWS_W // G
AGG_W0 = 80
AGG_W1 = 2 * ROWS_W - AGG_W0
NP = 10240
RPT = NP // NS

@functools.cache
def _mesh():
    return plsc.VectorSubcoreMesh(
        core_axis_name="c", subcore_axis_name="s",
        num_cores=NC, num_subcores=NS)


@functools.cache
def _mesh1():
    return plsc.VectorSubcoreMesh(
        core_axis_name="c", subcore_axis_name="s",
        num_cores=1, num_subcores=NS)


def _sc_degree_body(dst_hbm, zeros_hbm, ones_hbm, out_hbm, idx_v, ones_v,
                    acc_sh):
    cid = lax.axis_index("c")
    sid = lax.axis_index("s")
    wid = sid * NC + cid
    base = sid * RPT
    for k in range(RPT // CHUNK):
        pltpu.sync_copy(zeros_hbm, acc_sh.at[pl.ds(base + k * CHUNK, CHUNK)])
    pltpu.sync_copy(ones_hbm, ones_v)
    pltpu.sync_copy(dst_hbm.at[pl.ds(wid * ROWS_W, ROWS_W)], idx_v)
    plsc.subcore_barrier()

    def body(j, carry):
        pltpu.sync_copy(ones_v, acc_sh.at[idx_v.at[j]], add=True)
        return carry

    lax.fori_loop(0, ROWS_W, body, 0)
    plsc.subcore_barrier()
    pltpu.sync_copy(acc_sh.at[pl.ds(base, RPT)],
                    out_hbm.at[cid, pl.ds(base, RPT)])


def _sc_degree_zeros_ones():
    return jnp.zeros((CHUNK, 16), jnp.float32), jnp.ones((CHUNK, 16),
                                                         jnp.float32)


def _sc_degree(dst2d, zeros_row, ones_row):
    return pl.kernel(
        _sc_degree_body,
        out_type=jax.ShapeDtypeStruct((NC, NP, 16), jnp.float32),
        mesh=_mesh(),
        scratch_types=[
            pltpu.VMEM((ROWS_W, CHUNK), jnp.int32),
            pltpu.VMEM((CHUNK, 16), jnp.float32),
            pltpu.VMEM_SHARED((NP, 16), jnp.float32),
        ],
        compiler_params=pltpu.CompilerParams(use_tc_tiling_on_sc=False),
    )(dst2d, zeros_row, ones_row)


def _sc_aggregate_body(src_hbm, dst_hbm, xs_hbm, zeros_hbm, out_hbm,
                       src_r, dst_r, rows0, rows1, gsem0, gsem1, isem, zsem,
                       acc_sh):
    cid = lax.axis_index("c")
    sid = lax.axis_index("s")
    is0 = cid == 0
    nrows = jnp.where(is0, AGG_W0, AGG_W1)
    ng = nrows // G
    wbase = jnp.where(is0, sid * AGG_W0, NS * AGG_W0 + sid * AGG_W1)
    wbase = pl.multiple_of(wbase, 8)
    base = sid * RPT
    for k in range(RPT // CHUNK):
        pltpu.async_copy(zeros_hbm, acc_sh.at[pl.ds(base + k * CHUNK, CHUNK)],
                         zsem)
    pltpu.sync_copy(src_hbm.at[pl.ds(wbase, G)], src_r.at[0])
    pltpu.sync_copy(dst_hbm.at[pl.ds(wbase, G)], dst_r.at[0])

    @pl.when(ng >= 2)
    def _():
        pltpu.async_copy(src_hbm.at[pl.ds(wbase + G, G)], src_r.at[1], isem)
        pltpu.async_copy(dst_hbm.at[pl.ds(wbase + G, G)], dst_r.at[1], isem)
    for k in range(RPT // CHUNK):
        pltpu.make_async_copy(
            zeros_hbm, acc_sh.at[pl.ds(base + k * CHUNK, CHUNK)], zsem).wait()
    plsc.subcore_barrier()

    def sidx(c):
        return src_r.at[(c // G) % 2, c % G]

    def didx(c):
        return dst_r.at[(c // G) % 2, c % G]

    def _wait_idx():
        pltpu.make_async_copy(
            src_hbm.at[pl.ds(0, G)], src_r.at[0], isem).wait()
        pltpu.make_async_copy(
            src_hbm.at[pl.ds(0, G)], src_r.at[0], isem).wait()

    pltpu.async_copy(xs_hbm.at[sidx(0)], rows0, gsem0)
    half = G // 2

    def body(i, carry):
        j0 = 2 * i
        j1 = j0 + 1
        g = i // half
        at_boundary = (i % half) == (half - 1)
        pltpu.make_async_copy(xs_hbm.at[sidx(j0)], rows0, gsem0).wait()
        pltpu.async_copy(xs_hbm.at[sidx(j1)], rows1, gsem1)
        pltpu.sync_copy(rows0, acc_sh.at[didx(j0)], add=True)

        @pl.when(jnp.logical_and(at_boundary, g < ng - 1))
        def _():
            _wait_idx()

        pltpu.make_async_copy(xs_hbm.at[sidx(j1)], rows1, gsem1).wait()

        @pl.when(j0 + 2 < nrows)
        def _():
            pltpu.async_copy(xs_hbm.at[sidx(j0 + 2)], rows0, gsem0)

        pltpu.sync_copy(rows1, acc_sh.at[didx(j1)], add=True)

        @pl.when(jnp.logical_and(at_boundary, g < ng - 2))
        def _():
            off = pl.multiple_of(wbase + (g + 2) * G, 8)
            slot = g % 2
            pltpu.async_copy(src_hbm.at[pl.ds(off, G)], src_r.at[slot], isem)
            pltpu.async_copy(dst_hbm.at[pl.ds(off, G)], dst_r.at[slot], isem)

        return carry

    lax.fori_loop(0, nrows // 2, body, 0)
    plsc.subcore_barrier()
    for k in range(RPT // CHUNK):
        sl = pl.ds(base + k * CHUNK, CHUNK)
        pltpu.async_copy(acc_sh.at[sl], out_hbm.at[cid, sl], zsem)
    for k in range(RPT // CHUNK):
        sl = pl.ds(base + k * CHUNK, CHUNK)
        pltpu.make_async_copy(acc_sh.at[sl], out_hbm.at[cid, sl], zsem).wait()


def _sc_aggregate(src2d, dst2d, xs, zeros_row):
    return pl.kernel(
        _sc_aggregate_body,
        out_type=jax.ShapeDtypeStruct((NC, NP, H2), jnp.float32),
        mesh=_mesh(),
        scratch_types=[
            pltpu.VMEM((2, G, CHUNK), jnp.int32),
            pltpu.VMEM((2, G, CHUNK), jnp.int32),
            pltpu.VMEM((CHUNK, H2), jnp.float32),
            pltpu.VMEM((CHUNK, H2), jnp.float32),
            pltpu.SemaphoreType.DMA,
            pltpu.SemaphoreType.DMA,
            pltpu.SemaphoreType.DMA,
            pltpu.SemaphoreType.DMA,
            pltpu.VMEM_SHARED((NP, H2), jnp.float32),
        ],
    )(src2d, dst2d, xs, zeros_row)


def _pre_body(x_ref, wc_ref, xw_ref):
    xw_ref[...] = jnp.dot(x_ref[...], wc_ref[...],
                          preferred_element_type=jnp.float32)


def _dense_pre(xpad, W_conv):
    BR = 256
    grid = (NP // BR,)
    row = pl.BlockSpec((BR, H2), lambda i: (i, 0))
    full = pl.BlockSpec((H2, H2), lambda i: (0, 0))
    return pl.pallas_call(
        _pre_body,
        grid=grid,
        in_specs=[row, full],
        out_specs=row,
        out_shape=jax.ShapeDtypeStruct((NP, H2), jnp.float32),
    )(xpad, W_conv)


def _scale_body(d0_ref, d1_ref, xw_ref, xs_ref, dinv_ref):
    deg = d0_ref[:, 0:1] + d1_ref[:, 0:1] + 1.0
    dinv = lax.rsqrt(deg)
    dinv_ref[...] = jnp.broadcast_to(dinv, dinv_ref.shape)
    xs_ref[...] = dinv * xw_ref[...]


def _scale(d0, d1, xw):
    BR = 256
    grid = (NP // BR,)
    row16 = pl.BlockSpec((BR, 16), lambda i: (i, 0))
    row = pl.BlockSpec((BR, H2), lambda i: (i, 0))
    return pl.pallas_call(
        _scale_body,
        grid=grid,
        in_specs=[row16, row16, row],
        out_specs=[row, row16],
        out_shape=[jax.ShapeDtypeStruct((NP, H2), jnp.float32),
                   jax.ShapeDtypeStruct((NP, 16), jnp.float32)],
    )(d0, d1, xw)


def _post_body(p0_ref, p1_ref, xs_ref, dinv_ref, zt_ref, first_ref, bc_ref,
               wir_ref, bir_ref, whr_ref, bhr_ref, wiz_ref, biz_ref,
               whz_ref, bhz_ref, win_ref, bin_ref, whn_ref, bhn_ref,
               wf1_ref, bf1_ref, wf2_ref, bf2_ref, zbar_ref, out_ref):
    f32 = jnp.float32
    acc = p0_ref[...] + p1_ref[...] + xs_ref[...]
    x_emb = jax.nn.relu(dinv_ref[:, 0:1] * acc + bc_ref[...])
    zt = zt_ref[...]
    r = jax.nn.sigmoid(
        jnp.dot(x_emb, wir_ref[...], preferred_element_type=f32)
        + bir_ref[...]
        + jnp.dot(zt, whr_ref[...], preferred_element_type=f32)
        + bhr_ref[...])
    z = jax.nn.sigmoid(
        jnp.dot(x_emb, wiz_ref[...], preferred_element_type=f32)
        + biz_ref[...]
        + jnp.dot(zt, whz_ref[...], preferred_element_type=f32)
        + bhz_ref[...])
    n = jnp.tanh(
        jnp.dot(x_emb, win_ref[...], preferred_element_type=f32)
        + bin_ref[...]
        + r * (jnp.dot(zt, whn_ref[...], preferred_element_type=f32)
               + bhn_ref[...]))
    zbar_gru = (1.0 - z) * n + z * zt
    f = first_ref[0:1, 0:1]
    zbar = f * x_emb + (1.0 - f) * zbar_gru
    zbar_ref[...] = zbar
    h1 = jax.nn.relu(
        jnp.dot(zbar, wf1_ref[...], preferred_element_type=f32)
        + bf1_ref[...])
    out_ref[...] = (jnp.dot(h1, wf2_ref[...], preferred_element_type=f32)
                    + bf2_ref[...])


def _dense_post(p0, p1, xs, dinv16, ztpad, first128, b_conv,
                W_ir, b_ir, W_hr, b_hr, W_iz, b_iz, W_hz, b_hz,
                W_in_, b_in_, W_hn, b_hn, W_fc1, b_fc1, W_fc2, b_fc2):
    BR = 256
    grid = (NP // BR,)
    row = pl.BlockSpec((BR, H2), lambda i: (i, 0))
    row16 = pl.BlockSpec((BR, 16), lambda i: (i, 0))
    full = pl.BlockSpec((H2, H2), lambda i: (0, 0))
    bias = pl.BlockSpec((1, H2), lambda i: (0, 0))
    return pl.pallas_call(
        _post_body,
        grid=grid,
        in_specs=[row, row, row, row16, row,
                  pl.BlockSpec((1, H2), lambda i: (0, 0)),
                  bias, full, bias, full, bias, full, bias, full, bias,
                  full, bias, full, bias,
                  pl.BlockSpec((H2, H), lambda i: (0, 0)),
                  pl.BlockSpec((1, H), lambda i: (0, 0)),
                  pl.BlockSpec((H, O), lambda i: (0, 0)),
                  pl.BlockSpec((1, O), lambda i: (0, 0))],
        out_specs=[row, pl.BlockSpec((BR, O), lambda i: (i, 0))],
        out_shape=[jax.ShapeDtypeStruct((NP, H2), jnp.float32),
                   jax.ShapeDtypeStruct((NP, O), jnp.float32)],
    )(p0, p1, xs, dinv16, ztpad, first128, b_conv,
      W_ir, b_ir, W_hr, b_hr, W_iz, b_iz, W_hz, b_hz,
      W_in_, b_in_, W_hn, b_hn, W_fc1, b_fc1, W_fc2, b_fc2)


def kernel(x, edge_index, Zt, first, W_conv, b_conv, W_ir, b_ir, W_hr, b_hr,
           W_iz, b_iz, W_hz, b_hz, W_in_, b_in_, W_hn, b_hn,
           W_fc1, b_fc1, W_fc2, b_fc2):
    f32 = jnp.float32
    pad = N + (jnp.arange(EP - E, dtype=jnp.int32) % (NP - N))
    src2d = jnp.concatenate([edge_index[0], pad]).reshape(NCH, CHUNK)
    dst2d = jnp.concatenate([edge_index[1], pad]).reshape(NCH, CHUNK)

    xpad = jnp.zeros((NP, DIN), f32).at[:N].set(x)
    ztpad = jnp.zeros((NP, H2), f32).at[:N].set(Zt)

    zeros_row = jnp.zeros((CHUNK, H2), f32)
    first128 = jnp.broadcast_to(
        jnp.asarray(first, f32).reshape(1, 1), (1, H2))

    b2 = lambda b: b.reshape(1, -1)

    xw = _dense_pre(xpad, W_conv)
    zeros16, ones16 = _sc_degree_zeros_ones()
    deg_parts = _sc_degree(dst2d, zeros16, ones16)
    xs, dinv16 = _scale(deg_parts[0], deg_parts[1], xw)
    parts = _sc_aggregate(src2d, dst2d, xs, zeros_row)
    zbar, out2 = _dense_post(parts[0], parts[1], xs, dinv16, ztpad,
                             first128, b2(b_conv), W_ir, b2(b_ir),
                             W_hr, b2(b_hr), W_iz, b2(b_iz),
                             W_hz, b2(b_hz), W_in_, b2(b_in_),
                             W_hn, b2(b_hn),
                             W_fc1, b2(b_fc1), W_fc2, b2(b_fc2))
    return out2[:N], zbar[:N]

# --- scband reference (transcript-rebuilt; emitter-appended) ---
"""Pipeline reference for scband-dy-igcn-89575837926027 (READ-ONLY COPY).

The authoritative reference and input builder live on the scoring server;
editing this copy changes nothing except your own understanding.
"""

import jax, jax.numpy as jnp
import numpy as np

N = 10000
E = 320000
DIN = 128
H2 = 128
H = 64
O = 2


def setup_inputs(seed: int = 0) -> dict:
    key = jax.random.key(seed)
    ks = jax.random.split(key, 24)

    def w(k, shape, s=0.05):
        return jax.random.normal(k, shape, jnp.float32) * s

    inp = {}
    inp["x"] = jax.random.normal(ks[0], (N, DIN), jnp.float32)
    inp["edge_index"] = jax.random.randint(ks[1], (2, E), 0, N, jnp.int32)
    inp["Zt"] = jax.random.normal(ks[2], (N, H2), jnp.float32)
    inp["first"] = False
    inp["W_conv"] = w(ks[3], (DIN, H2))
    inp["b_conv"] = w(ks[4], (H2,))
    names = ["ir", "hr", "iz", "hz", "in_", "hn"]
    for i, nm in enumerate(names):
        inp["W_" + nm] = w(ks[5 + 2 * i], (H2, H2))
        inp["b_" + nm] = w(ks[6 + 2 * i], (H2,))
    inp["W_fc1"] = w(ks[17], (H2, H))
    inp["b_fc1"] = w(ks[18], (H,))
    inp["W_fc2"] = w(ks[19], (H, O))
    inp["b_fc2"] = w(ks[20], (O,))
    return inp


def _gcn(x, edge_index, W, b):
    # PyG GCNConv: add self-loops, symmetric deg^-1/2 normalization, scatter-add aggregation
    n = x.shape[0]
    loop = jnp.arange(n, dtype=edge_index.dtype)
    src = jnp.concatenate([edge_index[0], loop])
    dst = jnp.concatenate([edge_index[1], loop])
    xw = x @ W
    deg = jnp.zeros((n,), xw.dtype).at[dst].add(1.0)
    dinv = jnp.where(deg > 0, jax.lax.rsqrt(deg), 0.0)
    norm = dinv[src] * dinv[dst]
    out = jnp.zeros((n, W.shape[1]), xw.dtype).at[dst].add(norm[:, None] * xw[src])
    return out + b


def reference(x, edge_index, Zt, first, W_conv, b_conv, W_ir, b_ir, W_hr, b_hr,
              W_iz, b_iz, W_hz, b_hz, W_in_, b_in_, W_hn, b_hn,
              W_fc1, b_fc1, W_fc2, b_fc2):
    x_emb = jax.nn.relu(_gcn(x, edge_index, W_conv, b_conv))
    # F.dropout(x, self.training): eval mode -> p=0 -> identity
    r_t = jax.nn.sigmoid(x_emb @ W_ir + b_ir + Zt @ W_hr + b_hr)
    z_t = jax.nn.sigmoid(x_emb @ W_iz + b_iz + Zt @ W_hz + b_hz)
    n_t = jnp.tanh(x_emb @ W_in_ + b_in_ + r_t * (Zt @ W_hn + b_hn))
    zbar_gru = (1.0 - z_t) * n_t + z_t * Zt
    zbar = jnp.where(first, x_emb, zbar_gru)
    out = jax.nn.relu(zbar @ W_fc1 + b_fc1)
    out_final = out @ W_fc2 + b_fc2
    return out_final, zbar

if __name__ == "__main__":
    import jax
    _d = setup_inputs()
    print(jax.jit(kernel)(*tuple(_d.values())))

</pallas_src>

<mosaic_0001>
#map = affine_map<(d0, d1) -> (0, 0)>
#map1 = affine_map<(d0, d1) -> (0, 0, 0)>
module attributes {stable_mosaic.version = 14 : i64} {
  func.func @_sc_aggregate_body(%arg0: i32, %arg1: i32, %arg2: memref<2560x128xi32, #tpu.memory_space<hbm>>, %arg3: memref<2560x128xi32, #tpu.memory_space<hbm>>, %arg4: memref<10240x128xf32, #tpu.memory_space<hbm>>, %arg5: memref<128x128xf32, #tpu.memory_space<hbm>>, %arg6: memref<2x10240x128xf32, #tpu.memory_space<hbm>>, %arg7: memref<2x16x128xi32, #tpu.memory_space<vmem>>, %arg8: memref<2x16x128xi32, #tpu.memory_space<vmem>>, %arg9: memref<128x128xf32, #tpu.memory_space<vmem>>, %arg10: memref<128x128xf32, #tpu.memory_space<vmem>>, %arg11: memref<!tpu.dma_semaphore, #tpu.memory_space<semaphore_mem>>, %arg12: memref<!tpu.dma_semaphore, #tpu.memory_space<semaphore_mem>>, %arg13: memref<!tpu.dma_semaphore, #tpu.memory_space<semaphore_mem>>, %arg14: memref<!tpu.dma_semaphore, #tpu.memory_space<semaphore_mem>>, %arg15: memref<10240x128xf32, #tpu.memory_space<vmem_shared>>) attributes {dimension_semantics = [#tpu.dimension_semantics<core_parallel>, #tpu.dimension_semantics<subcore_parallel>], iteration_bounds = array<i64: 2, 16>, scalar_prefetch = 0 : i64, scratch_operands = 9 : i64, tpu.core_type = #tpu.core_type<sc_vector_subcore>, window_params = [{transform_indices = #map}, {transform_indices = #map}, {transform_indices = #map}, {transform_indices = #map}, {transform_indices = #map1}]} {
    %eq3A = arith.constant 0 : i32
    %eq3A_0 = arith.cmpi eq, %arg0, %eq3A : i32
    %jit3A = arith.constant 80 : i32
    %jit3A_1 = arith.constant 80 : i32
    %select_n3A = arith.select %eq3A_0, %jit3A, %jit3A_1 : i32
    %jit3A_2 = arith.constant 16 : i32
    %div3A = arith.divsi %select_n3A, %jit3A_2 : i32
    %sign3A = arith.constant 0 : i32
    %sign3A_3 = arith.cmpi sgt, %select_n3A, %sign3A : i32
    %sign3A_4 = arith.extui %sign3A_3 : i1 to i32
    %sign3A_5 = arith.constant 0 : i32
    %sign3A_6 = arith.cmpi slt, %select_n3A, %sign3A_5 : i32
    %sign3A_7 = arith.extui %sign3A_6 : i1 to i32
    %sign3A_8 = arith.subi %sign3A_4, %sign3A_7 : i32
    %sign3A_9 = arith.constant 0 : i32
    %sign3A_10 = arith.cmpi sgt, %jit3A_2, %sign3A_9 : i32
    %sign3A_11 = arith.extui %sign3A_10 : i1 to i32
    %sign3A_12 = arith.constant 0 : i32
    %sign3A_13 = arith.cmpi slt, %jit3A_2, %sign3A_12 : i32
    %sign3A_14 = arith.extui %sign3A_13 : i1 to i32
    %sign3A_15 = arith.subi %sign3A_11, %sign3A_14 : i32
    %ne3A = arith.cmpi ne, %sign3A_8, %sign3A_15 : i32
    %rem3A = arith.remsi %select_n3A, %jit3A_2 : i32
    %ne3A_16 = arith.constant 0 : i32
    %ne3A_17 = arith.cmpi ne, %rem3A, %ne3A_16 : i32
    %and3A = arith.andi %ne3A, %ne3A_17 : i1
    %sub3A = arith.constant 1 : i32
    %sub3A_18 = arith.subi %div3A, %sub3A : i32
    %select_n3A_19 = arith.select %and3A, %sub3A_18, %div3A : i32
    %mul3A = arith.constant 80 : i32
    %mul3A_20 = arith.muli %arg1, %mul3A : i32
    %mul3A_21 = arith.constant 80 : i32
    %mul3A_22 = arith.muli %arg1, %mul3A_21 : i32
    %add3A = arith.constant 1280 : i32
    %add3A_23 = arith.addi %add3A, %mul3A_22 : i32
    %select_n3A_24 = arith.select %eq3A_0, %mul3A_20, %add3A_23 : i32
    %multiple_of3A = tpu.assume_multiple %select_n3A_24, 8 : i32
    %mul3A_25 = arith.constant 640 : i32
    %mul3A_26 = arith.muli %arg1, %mul3A_25 : i32
    %add3A_27 = arith.constant 0 : i32
    %add3A_28 = arith.addi %mul3A_26, %add3A_27 : i32
    %dma_start3A = arith.constant 0 : i32
    %dma_start3A_29 = tpu.memref_slice %arg15[%add3A_28, %dma_start3A] : memref<10240x128xf32, #tpu.memory_space<vmem_shared>> -> memref<128x128xf32, #tpu.memory_space<vmem_shared>>
    tpu.enqueue_dma source(%arg5 : memref<128x128xf32, #tpu.memory_space<hbm>>) target(%dma_start3A_29 : memref<128x128xf32, #tpu.memory_space<vmem_shared>>) target_semaphore(%arg14 : memref<!tpu.dma_semaphore, #tpu.memory_space<semaphore_mem>>)
    %add3A_30 = arith.constant 128 : i32
    %add3A_31 = arith.addi %mul3A_26, %add3A_30 : i32
    %dma_start3A_32 = arith.constant 0 : i32
    %dma_start3A_33 = tpu.memref_slice %arg15[%add3A_31, %dma_start3A_32] : memref<10240x128xf32, #tpu.memory_space<vmem_shared>> -> memref<128x128xf32, #tpu.memory_space<vmem_shared>>
    tpu.enqueue_dma source(%arg5 : memref<128x128xf32, #tpu.memory_space<hbm>>) target(%dma_start3A_33 : memref<128x128xf32, #tpu.memory_space<vmem_shared>>) target_semaphore(%arg14 : memref<!tpu.dma_semaphore, #tpu.memory_space<semaphore_mem>>)
    %add3A_34 = arith.constant 256 : i32
    %add3A_35 = arith.addi %mul3A_26, %add3A_34 : i32
    %dma_start3A_36 = arith.constant 0 : i32
    %dma_start3A_37 = tpu.memref_slice %arg15[%add3A_35, %dma_start3A_36] : memref<10240x128xf32, #tpu.memory_space<vmem_shared>> -> memref<128x128xf32, #tpu.memory_space<vmem_shared>>
    tpu.enqueue_dma source(%arg5 : memref<128x128xf32, #tpu.memory_space<hbm>>) target(%dma_start3A_37 : memref<128x128xf32, #tpu.memory_space<vmem_shared>>) target_semaphore(%arg14 : memref<!tpu.dma_semaphore, #tpu.memory_space<semaphore_mem>>)
    %add3A_38 = arith.constant 384 : i32
    %add3A_39 = arith.addi %mul3A_26, %add3A_38 : i32
    %dma_start3A_40 = arith.constant 0 : i32
    %dma_start3A_41 = tpu.memref_slice %arg15[%add3A_39, %dma_start3A_40] : memref<10240x128xf32, #tpu.memory_space<vmem_shared>> -> memref<128x128xf32, #tpu.memory_space<vmem_shared>>
    tpu.enqueue_dma source(%arg5 : memref<128x128xf32, #tpu.memory_space<hbm>>) target(%dma_start3A_41 : memref<128x128xf32, #tpu.memory_space<vmem_shared>>) target_semaphore(%arg14 : memref<!tpu.dma_semaphore, #tpu.memory_space<semaphore_mem>>)
    %add3A_42 = arith.constant 512 : i32
    %add3A_43 = arith.addi %mul3A_26, %add3A_42 : i32
    %dma_start3A_44 = arith.constant 0 : i32
    %dma_start3A_45 = tpu.memref_slice %arg15[%add3A_43, %dma_start3A_44] : memref<10240x128xf32, #tpu.memory_space<vmem_shared>> -> memref<128x128xf32, #tpu.memory_space<vmem_shared>>
    tpu.enqueue_dma source(%arg5 : memref<128x128xf32, #tpu.memory_space<hbm>>) target(%dma_start3A_45 : memref<128x128xf32, #tpu.memory_space<vmem_shared>>) target_semaphore(%arg14 : memref<!tpu.dma_semaphore, #tpu.memory_space<semaphore_mem>>)
    %run_scoped3A = arith.constant 0 : i32
    "tpu.region"() ({
      %run_scoped3A_180 = tpu.sem_alloc : memref<!tpu.dma_semaphore, #tpu.memory_space<semaphore_mem>>
      %dma_start3A_181 = arith.constant 0 : i32
      %dma_start3A_182 = arith.constant 0 : i32
      %dma_start3A_183 = tpu.memref_slice %arg7[%run_scoped3A, %dma_start3A_181, %dma_start3A_182] : memref<2x16x128xi32, #tpu.memory_space<vmem>> -> memref<1x16x128xi32, #tpu.memory_space<vmem>>
      %dma_start3A_184 = tpu.memref_squeeze %dma_start3A_183 : memref<1x16x128xi32, #tpu.memory_space<vmem>> -> memref<16x128xi32, #tpu.memory_space<vmem>>
      %dma_start3A_185 = arith.constant 0 : i32
      %dma_start3A_186 = tpu.memref_slice %arg2[%multiple_of3A, %dma_start3A_185] : memref<2560x128xi32, #tpu.memory_space<hbm>> -> memref<16x128xi32, #tpu.memory_space<hbm>>
      %dma_start3A_187 = arith.constant 0 : i32
      %dma_start3A_188 = arith.constant 0 : i32
      %dma_start3A_189 = tpu.memref_slice %arg7[%run_scoped3A, %dma_start3A_187, %dma_start3A_188] : memref<2x16x128xi32, #tpu.memory_space<vmem>> -> memref<1x16x128xi32, #tpu.memory_space<vmem>>
      %dma_start3A_190 = tpu.memref_squeeze %dma_start3A_189 : memref<1x16x128xi32, #tpu.memory_space<vmem>> -> memref<16x128xi32, #tpu.memory_space<vmem>>
      %dma_start3A_191 = arith.constant 0 : i32
      %dma_start3A_192 = tpu.memref_slice %arg2[%multiple_of3A, %dma_start3A_191] : memref<2560x128xi32, #tpu.memory_space<hbm>> -> memref<16x128xi32, #tpu.memory_space<hbm>>
      tpu.enqueue_dma source(%dma_start3A_192 : memref<16x128xi32, #tpu.memory_space<hbm>>) target(%dma_start3A_190 : memref<16x128xi32, #tpu.memory_space<vmem>>) target_semaphore(%run_scoped3A_180 : memref<!tpu.dma_semaphore, #tpu.memory_space<semaphore_mem>>)
      %dma_wait3A_193 = arith.constant 0 : i32
      %dma_wait3A_194 = arith.constant 0 : i32
      %dma_wait3A_195 = tpu.memref_slice %arg7[%run_scoped3A, %dma_wait3A_193, %dma_wait3A_194] : memref<2x16x128xi32, #tpu.memory_space<vmem>> -> memref<1x16x128xi32, #tpu.memory_space<vmem>>
      %dma_wait3A_196 = tpu.memref_squeeze %dma_wait3A_195 : memref<1x16x128xi32, #tpu.memory_space<vmem>> -> memref<16x128xi32, #tpu.memory_space<vmem>>
      %dma_wait3A_197 = arith.constant 0 : i32
      %dma_wait3A_198 = tpu.memref_slice %arg2[%multiple_of3A, %dma_wait3A_197] : memref<2560x128xi32, #tpu.memory_space<hbm>> -> memref<16x128xi32, #tpu.memory_space<hbm>>
      %dma_wait3A_199 = arith.constant 0 : i32
      %dma_wait3A_200 = arith.constant 0 : i32
      %dma_wait3A_201 = tpu.memref_slice %arg7[%run_scoped3A, %dma_wait3A_199, %dma_wait3A_200] : memref<2x16x128xi32, #tpu.memory_space<vmem>> -> memref<1x16x128xi32, #tpu.memory_space<vmem>>
      %dma_wait3A_202 = tpu.memref_squeeze %dma_wait3A_201 : memref<1x16x128xi32, #tpu.memory_space<vmem>> -> memref<16x128xi32, #tpu.memory_space<vmem>>
      %dma_wait3A_203 = arith.constant 0 : i32
      %dma_wait3A_204 = tpu.memref_slice %arg2[%multiple_of3A, %dma_wait3A_203] : memref<2560x128xi32, #tpu.memory_space<hbm>> -> memref<16x128xi32, #tpu.memory_space<hbm>>
      tpu.wait_dma2 semaphore(%run_scoped3A_180 : memref<!tpu.dma_semaphore, #tpu.memory_space<semaphore_mem>>) src(%dma_wait3A_204 : memref<16x128xi32, #tpu.memory_space<hbm>>) dst(%dma_wait3A_202 : memref<16x128xi32, #tpu.memory_space<vmem>>)
      tpu.yield
    }) : () -> ()
    %run_scoped3A_46 = arith.constant 0 : i32
    "tpu.region"() ({
      %run_scoped3A_180 = tpu.sem_alloc : memref<!tpu.dma_semaphore, #tpu.memory_space<semaphore_mem>>
      %dma_start3A_181 = arith.constant 0 : i32
      %dma_start3A_182 = arith.constant 0 : i32
      %dma_start3A_183 = tpu.memref_slice %arg8[%run_scoped3A_46, %dma_start3A_181, %dma_start3A_182] : memref<2x16x128xi32, #tpu.memory_space<vmem>> -> memref<1x16x128xi32, #tpu.memory_space<vmem>>
      %dma_start3A_184 = tpu.memref_squeeze %dma_start3A_183 : memref<1x16x128xi32, #tpu.memory_space<vmem>> -> memref<16x128xi32, #tpu.memory_space<vmem>>
      %dma_start3A_185 = arith.constant 0 : i32
      %dma_start3A_186 = tpu.memref_slice %arg3[%multiple_of3A, %dma_start3A_185] : memref<2560x128xi32, #tpu.memory_space<hbm>> -> memref<16x128xi32, #tpu.memory_space<hbm>>
      %dma_start3A_187 = arith.constant 0 : i32
      %dma_start3A_188 = arith.constant 0 : i32
      %dma_start3A_189 = tpu.memref_slice %arg8[%run_scoped3A_46, %dma_start3A_187, %dma_start3A_188] : memref<2x16x128xi32, #tpu.memory_space<vmem>> -> memref<1x16x128xi32, #tpu.memory_space<vmem>>
      %dma_start3A_190 = tpu.memref_squeeze %dma_start3A_189 : memref<1x16x128xi32, #tpu.memory_space<vmem>> -> memref<16x128xi32, #tpu.memory_space<vmem>>
      %dma_start3A_191 = arith.constant 0 : i32
      %dma_start3A_192 = tpu.memref_slice %arg3[%multiple_of3A, %dma_start3A_191] : memref<2560x128xi32, #tpu.memory_space<hbm>> -> memref<16x128xi32, #tpu.memory_space<hbm>>
      tpu.enqueue_dma source(%dma_start3A_192 : memref<16x128xi32, #tpu.memory_space<hbm>>) target(%dma_start3A_190 : memref<16x128xi32, #tpu.memory_space<vmem>>) target_semaphore(%run_scoped3A_180 : memref<!tpu.dma_semaphore, #tpu.memory_space<semaphore_mem>>)
      %dma_wait3A_193 = arith.constant 0 : i32
      %dma_wait3A_194 = arith.constant 0 : i32
      %dma_wait3A_195 = tpu.memref_slice %arg8[%run_scoped3A_46, %dma_wait3A_193, %dma_wait3A_194] : memref<2x16x128xi32, #tpu.memory_space<vmem>> -> memref<1x16x128xi32, #tpu.memory_space<vmem>>
      %dma_wait3A_196 = tpu.memref_squeeze %dma_wait3A_195 : memref<1x16x128xi32, #tpu.memory_space<vmem>> -> memref<16x128xi32, #tpu.memory_space<vmem>>
      %dma_wait3A_197 = arith.constant 0 : i32
      %dma_wait3A_198 = tpu.memref_slice %arg3[%multiple_of3A, %dma_wait3A_197] : memref<2560x128xi32, #tpu.memory_space<hbm>> -> memref<16x128xi32, #tpu.memory_space<hbm>>
      %dma_wait3A_199 = arith.constant 0 : i32
      %dma_wait3A_200 = arith.constant 0 : i32
      %dma_wait3A_201 = tpu.memref_slice %arg8[%run_scoped3A_46, %dma_wait3A_199, %dma_wait3A_200] : memref<2x16x128xi32, #tpu.memory_space<vmem>> -> memref<1x16x128xi32, #tpu.memory_space<vmem>>
      %dma_wait3A_202 = tpu.memref_squeeze %dma_wait3A_201 : memref<1x16x128xi32, #tpu.memory_space<vmem>> -> memref<16x128xi32, #tpu.memory_space<vmem>>
      %dma_wait3A_203 = arith.constant 0 : i32
      %dma_wait3A_204 = tpu.memref_slice %arg3[%multiple_of3A, %dma_wait3A_203] : memref<2560x128xi32, #tpu.memory_space<hbm>> -> memref<16x128xi32, #tpu.memory_space<hbm>>
      tpu.wait_dma2 semaphore(%run_scoped3A_180 : memref<!tpu.dma_semaphore, #tpu.memory_space<semaphore_mem>>) src(%dma_wait3A_204 : memref<16x128xi32, #tpu.memory_space<hbm>>) dst(%dma_wait3A_202 : memref<16x128xi32, #tpu.memory_space<vmem>>)
      tpu.yield
    }) : () -> ()
    %ge3A = arith.constant 2 : i32
    %ge3A_47 = arith.cmpi sge, %select_n3A_19, %ge3A : i32
    %convert_element_type3A = arith.extui %ge3A_47 : i1 to i32
    %cond3A = arith.constant 0 : i32
    %cond3A_48 = arith.cmpi ne, %convert_element_type3A, %cond3A : i32
    scf.if %cond3A_48 {
      %add3A_180 = arith.constant 16 : i32
      %add3A_181 = arith.addi %multiple_of3A, %add3A_180 : i32
      %dma_start3A_182 = arith.constant 1 : i32
      %dma_start3A_183 = arith.constant 0 : i32
      %dma_start3A_184 = arith.constant 0 : i32
      %dma_start3A_185 = tpu.memref_slice %arg7[%dma_start3A_182, %dma_start3A_183, %dma_start3A_184] : memref<2x16x128xi32, #tpu.memory_space<vmem>> -> memref<1x16x128xi32, #tpu.memory_space<vmem>>
      %dma_start3A_186 = tpu.memref_squeeze %dma_start3A_185 : memref<1x16x128xi32, #tpu.memory_space<vmem>> -> memref<16x128xi32, #tpu.memory_space<vmem>>
      %dma_start3A_187 = arith.constant 0 : i32
      %dma_start3A_188 = tpu.memref_slice %arg2[%add3A_181, %dma_start3A_187] : memref<2560x128xi32, #tpu.memory_space<hbm>> -> memref<16x128xi32, #tpu.memory_space<hbm>>
      %dma_start3A_189 = arith.constant 0 : i32
      %dma_start3A_190 = arith.constant 0 : i32
      %dma_start3A_191 = tpu.memref_slice %arg7[%dma_start3A_182, %dma_start3A_189, %dma_start3A_190] : memref<2x16x128xi32, #tpu.memory_space<vmem>> -> memref<1x16x128xi32, #tpu.memory_space<vmem>>
      %dma_start3A_192 = tpu.memref_squeeze %dma_start3A_191 : memref<1x16x128xi32, #tpu.memory_space<vmem>> -> memref<16x128xi32, #tpu.memory_space<vmem>>
      %dma_start3A_193 = arith.constant 0 : i32
      %dma_start3A_194 = tpu.memref_slice %arg2[%add3A_181, %dma_start3A_193] : memref<2560x128xi32, #tpu.memory_space<hbm>> -> memref<16x128xi32, #tpu.memory_space<hbm>>
      tpu.enqueue_dma source(%dma_start3A_194 : memref<16x128xi32, #tpu.memory_space<hbm>>) target(%dma_start3A_192 : memref<16x128xi32, #tpu.memory_space<vmem>>) target_semaphore(%arg13 : memref<!tpu.dma_semaphore, #tpu.memory_space<semaphore_mem>>)
      %add3A_195 = arith.constant 16 : i32
      %add3A_196 = arith.addi %multiple_of3A, %add3A_195 : i32
      %dma_start3A_197 = arith.constant 1 : i32
      %dma_start3A_198 = arith.constant 0 : i32
      %dma_start3A_199 = arith.constant 0 : i32
      %dma_start3A_200 = tpu.memref_slice %arg8[%dma_start3A_197, %dma_start3A_198, %dma_start3A_199] : memref<2x16x128xi32, #tpu.memory_space<vmem>> -> memref<1x16x128xi32, #tpu.memory_space<vmem>>
      %dma_start3A_201 = tpu.memref_squeeze %dma_start3A_200 : memref<1x16x128xi32, #tpu.memory_space<vmem>> -> memref<16x128xi32, #tpu.memory_space<vmem>>
      %dma_start3A_202 = arith.constant 0 : i32
      %dma_start3A_203 = tpu.memref_slice %arg3[%add3A_196, %dma_start3A_202] : memref<2560x128xi32, #tpu.memory_space<hbm>> -> memref<16x128xi32, #tpu.memory_space<hbm>>
      %dma_start3A_204 = arith.constant 0 : i32
      %dma_start3A_205 = arith.constant 0 : i32
      %dma_start3A_206 = tpu.memref_slice %arg8[%dma_start3A_197, %dma_start3A_204, %dma_start3A_205] : memref<2x16x128xi32, #tpu.memory_space<vmem>> -> memref<1x16x128xi32, #tpu.memory_space<vmem>>
      %dma_start3A_207 = tpu.memref_squeeze %dma_start3A_206 : memref<1x16x128xi32, #tpu.memory_space<vmem>> -> memref<16x128xi32, #tpu.memory_space<vmem>>
      %dma_start3A_208 = arith.constant 0 : i32
      %dma_start3A_209 = tpu.memref_slice %arg3[%add3A_196, %dma_start3A_208] : memref<2560x128xi32, #tpu.memory_space<hbm>> -> memref<16x128xi32, #tpu.memory_space<hbm>>
      tpu.enqueue_dma source(%dma_start3A_209 : memref<16x128xi32, #tpu.memory_space<hbm>>) target(%dma_start3A_207 : memref<16x128xi32, #tpu.memory_space<vmem>>) target_semaphore(%arg13 : memref<!tpu.dma_semaphore, #tpu.memory_space<semaphore_mem>>)
    } else {
    }
    %add3A_49 = arith.constant 0 : i32
    %add3A_50 = arith.addi %mul3A_26, %add3A_49 : i32
    %dma_wait3A = arith.constant 0 : i32
    %dma_wait3A_51 = tpu.memref_slice %arg15[%add3A_50, %dma_wait3A] : memref<10240x128xf32, #tpu.memory_space<vmem_shared>> -> memref<128x128xf32, #tpu.memory_space<vmem_shared>>
    tpu.wait_dma2 semaphore(%arg14 : memref<!tpu.dma_semaphore, #tpu.memory_space<semaphore_mem>>) src(%arg5 : memref<128x128xf32, #tpu.memory_space<hbm>>) dst(%dma_wait3A_51 : memref<128x128xf32, #tpu.memory_space<vmem_shared>>)
    %add3A_52 = arith.constant 128 : i32
    %add3A_53 = arith.addi %mul3A_26, %add3A_52 : i32
    %dma_wait3A_54 = arith.constant 0 : i32
    %dma_wait3A_55 = tpu.memref_slice %arg15[%add3A_53, %dma_wait3A_54] : memref<10240x128xf32, #tpu.memory_space<vmem_shared>> -> memref<128x128xf32, #tpu.memory_space<vmem_shared>>
    tpu.wait_dma2 semaphore(%arg14 : memref<!tpu.dma_semaphore, #tpu.memory_space<semaphore_mem>>) src(%arg5 : memref<128x128xf32, #tpu.memory_space<hbm>>) dst(%dma_wait3A_55 : memref<128x128xf32, #tpu.memory_space<vmem_shared>>)
    %add3A_56 = arith.constant 256 : i32
    %add3A_57 = arith.addi %mul3A_26, %add3A_56 : i32
    %dma_wait3A_58 = arith.constant 0 : i32
    %dma_wait3A_59 = tpu.memref_slice %arg15[%add3A_57, %dma_wait3A_58] : memref<10240x128xf32, #tpu.memory_space<vmem_shared>> -> memref<128x128xf32, #tpu.memory_space<vmem_shared>>
    tpu.wait_dma2 semaphore(%arg14 : memref<!tpu.dma_semaphore, #tpu.memory_space<semaphore_mem>>) src(%arg5 : memref<128x128xf32, #tpu.memory_space<hbm>>) dst(%dma_wait3A_59 : memref<128x128xf32, #tpu.memory_space<vmem_shared>>)
    %add3A_60 = arith.constant 384 : i32
    %add3A_61 = arith.addi %mul3A_26, %add3A_60 : i32
    %dma_wait3A_62 = arith.constant 0 : i32
    %dma_wait3A_63 = tpu.memref_slice %arg15[%add3A_61, %dma_wait3A_62] : memref<10240x128xf32, #tpu.memory_space<vmem_shared>> -> memref<128x128xf32, #tpu.memory_space<vmem_shared>>
    tpu.wait_dma2 semaphore(%arg14 : memref<!tpu.dma_semaphore, #tpu.memory_space<semaphore_mem>>) src(%arg5 : memref<128x128xf32, #tpu.memory_space<hbm>>) dst(%dma_wait3A_63 : memref<128x128xf32, #tpu.memory_space<vmem_shared>>)
    %add3A_64 = arith.constant 512 : i32
    %add3A_65 = arith.addi %mul3A_26, %add3A_64 : i32
    %dma_wait3A_66 = arith.constant 0 : i32
    %dma_wait3A_67 = tpu.memref_slice %arg15[%add3A_65, %dma_wait3A_66] : memref<10240x128xf32, #tpu.memory_space<vmem_shared>> -> memref<128x128xf32, #tpu.memory_space<vmem_shared>>
    tpu.wait_dma2 semaphore(%arg14 : memref<!tpu.dma_semaphore, #tpu.memory_space<semaphore_mem>>) src(%arg5 : memref<128x128xf32, #tpu.memory_space<hbm>>) dst(%dma_wait3A_67 : memref<128x128xf32, #tpu.memory_space<vmem_shared>>)
    %barrier3A = arith.constant 0 : index
    tpu.barrier barrier_id(%barrier3A)
    %dma_start3A_68 = arith.constant 0 : i32
    %dma_start3A_69 = arith.constant 0 : i32
    %dma_start3A_70 = arith.constant 0 : i32
    %dma_start3A_71 = tpu.memref_slice %arg7[%dma_start3A_68, %dma_start3A_69, %dma_start3A_70] : memref<2x16x128xi32, #tpu.memory_space<vmem>> -> memref<1x1x128xi32, #tpu.memory_space<vmem>>
    %dma_start3A_72 = tpu.memref_squeeze %dma_start3A_71 : memref<1x1x128xi32, #tpu.memory_space<vmem>> -> memref<128xi32, #tpu.memory_space<vmem>>
    %dma_start3A_73 = arith.constant 0 : i32
    %dma_start3A_74 = arith.constant 0 : i32
    %dma_start3A_75 = tpu.memref_slice %arg4[%dma_start3A_73, %dma_start3A_74] : memref<10240x128xf32, #tpu.memory_space<hbm>> -> memref<10240x128xf32, #tpu.memory_space<hbm>>
    tpu.enqueue_indirect_dma source(%dma_start3A_75 : memref<10240x128xf32, #tpu.memory_space<hbm>>) target(%arg9 : memref<128x128xf32, #tpu.memory_space<vmem>>) offsets(%dma_start3A_72 : memref<128xi32, #tpu.memory_space<vmem>>) semaphore(%arg11 : memref<!tpu.dma_semaphore, #tpu.memory_space<semaphore_mem>>)
    %jit3A_76 = arith.constant 2 : i32
    %div3A_77 = arith.divsi %select_n3A, %jit3A_76 : i32
    %sign3A_78 = arith.constant 0 : i32
    %sign3A_79 = arith.cmpi sgt, %select_n3A, %sign3A_78 : i32
    %sign3A_80 = arith.extui %sign3A_79 : i1 to i32
    %sign3A_81 = arith.constant 0 : i32
    %sign3A_82 = arith.cmpi slt, %select_n3A, %sign3A_81 : i32
    %sign3A_83 = arith.extui %sign3A_82 : i1 to i32
    %sign3A_84 = arith.subi %sign3A_80, %sign3A_83 : i32
    %sign3A_85 = arith.constant 0 : i32
    %sign3A_86 = arith.cmpi sgt, %jit3A_76, %sign3A_85 : i32
    %sign3A_87 = arith.extui %sign3A_86 : i1 to i32
    %sign3A_88 = arith.constant 0 : i32
    %sign3A_89 = arith.cmpi slt, %jit3A_76, %sign3A_88 : i32
    %sign3A_90 = arith.extui %sign3A_89 : i1 to i32
    %sign3A_91 = arith.subi %sign3A_87, %sign3A_90 : i32
    %ne3A_92 = arith.cmpi ne, %sign3A_84, %sign3A_91 : i32
    %rem3A_93 = arith.remsi %select_n3A, %jit3A_76 : i32
    %ne3A_94 = arith.constant 0 : i32
    %ne3A_95 = arith.cmpi ne, %rem3A_93, %ne3A_94 : i32
    %and3A_96 = arith.andi %ne3A_92, %ne3A_95 : i1
    %sub3A_97 = arith.constant 1 : i32
    %sub3A_98 = arith.subi %div3A_77, %sub3A_97 : i32
    %select_n3A_99 = arith.select %and3A_96, %sub3A_98, %div3A_77 : i32
    %while3A = arith.constant 0 : i32
    %while3A_100 = arith.constant 0 : i32
    %while3A_101 = arith.subi %select_n3A_99, %while3A_100 : i32
    %while3A_102 = arith.addi %while3A_100, %while3A_101 : i32
    %while3A_103 = arith.constant 1 : i32
    %while3A_104 = arith.divsi %while3A_101, %while3A_103 : i32
    %while3A_105 = arith.muli %while3A_104, %while3A_103 : i32
    %while3A_106 = arith.addi %while3A_100, %while3A_105 : i32
    %while3A_107 = arith.constant 1 : i32
    scf.for %while3A_180 = %while3A_100 to %while3A_106 step %while3A_107  : i32 {
      %mul3A_181 = arith.constant 2 : i32
      %mul3A_182 = arith.muli %mul3A_181, %while3A_180 : i32
      %add3A_183 = arith.constant 1 : i32
      %add3A_184 = arith.addi %mul3A_182, %add3A_183 : i32
      %jit3A_185 = arith.constant 8 : i32
      %div3A_186 = arith.divsi %while3A_180, %jit3A_185 : i32
      %sign3A_187 = arith.constant 0 : i32
      %sign3A_188 = arith.cmpi sgt, %while3A_180, %sign3A_187 : i32
      %sign3A_189 = arith.extui %sign3A_188 : i1 to i32
      %sign3A_190 = arith.constant 0 : i32
      %sign3A_191 = arith.cmpi slt, %while3A_180, %sign3A_190 : i32
      %sign3A_192 = arith.extui %sign3A_191 : i1 to i32
      %sign3A_193 = arith.subi %sign3A_189, %sign3A_192 : i32
      %sign3A_194 = arith.constant 0 : i32
      %sign3A_195 = arith.cmpi sgt, %jit3A_185, %sign3A_194 : i32
      %sign3A_196 = arith.extui %sign3A_195 : i1 to i32
      %sign3A_197 = arith.constant 0 : i32
      %sign3A_198 = arith.cmpi slt, %jit3A_185, %sign3A_197 : i32
      %sign3A_199 = arith.extui %sign3A_198 : i1 to i32
      %sign3A_200 = arith.subi %sign3A_196, %sign3A_199 : i32
      %ne3A_201 = arith.cmpi ne, %sign3A_193, %sign3A_200 : i32
      %rem3A_202 = arith.remsi %while3A_180, %jit3A_185 : i32
      %ne3A_203 = arith.constant 0 : i32
      %ne3A_204 = arith.cmpi ne, %rem3A_202, %ne3A_203 : i32
      %and3A_205 = arith.andi %ne3A_201, %ne3A_204 : i1
      %sub3A_206 = arith.constant 1 : i32
      %sub3A_207 = arith.subi %div3A_186, %sub3A_206 : i32
      %select_n3A_208 = arith.select %and3A_205, %sub3A_207, %div3A_186 : i32
      %jit3A_209 = arith.constant 8 : i32
      %eq3A_210 = arith.constant 0 : i32
      %eq3A_211 = arith.cmpi eq, %jit3A_209, %eq3A_210 : i32
      %jit3A_212 = arith.constant 1 : i32
      %select_n3A_213 = arith.select %eq3A_211, %jit3A_212, %jit3A_209 : i32
      %rem3A_214 = arith.remsi %while3A_180, %select_n3A_213 : i32
      %ne3A_215 = arith.constant 0 : i32
      %ne3A_216 = arith.cmpi ne, %rem3A_214, %ne3A_215 : i32
      %lt3A = arith.constant 0 : i32
      %lt3A_217 = arith.cmpi slt, %rem3A_214, %lt3A : i32
      %lt3A_218 = arith.constant 0 : i32
      %lt3A_219 = arith.cmpi slt, %select_n3A_213, %lt3A_218 : i32
      %ne3A_220 = arith.xori %lt3A_217, %lt3A_219 : i1
      %and3A_221 = arith.andi %ne3A_220, %ne3A_216 : i1
      %add3A_222 = arith.addi %rem3A_214, %select_n3A_213 : i32
      %select_n3A_223 = arith.select %and3A_221, %add3A_222, %rem3A_214 : i32
      %eq3A_224 = arith.constant 7 : i32
      %eq3A_225 = arith.cmpi eq, %select_n3A_223, %eq3A_224 : i32
      %jit3A_226 = arith.constant 16 : i32
      %div3A_227 = arith.divsi %mul3A_182, %jit3A_226 : i32
      %sign3A_228 = arith.constant 0 : i32
      %sign3A_229 = arith.cmpi sgt, %mul3A_182, %sign3A_228 : i32
      %sign3A_230 = arith.extui %sign3A_229 : i1 to i32
      %sign3A_231 = arith.constant 0 : i32
      %sign3A_232 = arith.cmpi slt, %mul3A_182, %sign3A_231 : i32
      %sign3A_233 = arith.extui %sign3A_232 : i1 to i32
      %sign3A_234 = arith.subi %sign3A_230, %sign3A_233 : i32
      %sign3A_235 = arith.constant 0 : i32
      %sign3A_236 = arith.cmpi sgt, %jit3A_226, %sign3A_235 : i32
      %sign3A_237 = arith.extui %sign3A_236 : i1 to i32
      %sign3A_238 = arith.constant 0 : i32
      %sign3A_239 = arith.cmpi slt, %jit3A_226, %sign3A_238 : i32
      %sign3A_240 = arith.extui %sign3A_239 : i1 to i32
      %sign3A_241 = arith.subi %sign3A_237, %sign3A_240 : i32
      %ne3A_242 = arith.cmpi ne, %sign3A_234, %sign3A_241 : i32
      %rem3A_243 = arith.remsi %mul3A_182, %jit3A_226 : i32
      %ne3A_244 = arith.constant 0 : i32
      %ne3A_245 = arith.cmpi ne, %rem3A_243, %ne3A_244 : i32
      %and3A_246 = arith.andi %ne3A_242, %ne3A_245 : i1
      %sub3A_247 = arith.constant 1 : i32
      %sub3A_248 = arith.subi %div3A_227, %sub3A_247 : i32
      %select_n3A_249 = arith.select %and3A_246, %sub3A_248, %div3A_227 : i32
      %jit3A_250 = arith.constant 2 : i32
      %eq3A_251 = arith.constant 0 : i32
      %eq3A_252 = arith.cmpi eq, %jit3A_250, %eq3A_251 : i32
      %jit3A_253 = arith.constant 1 : i32
      %select_n3A_254 = arith.select %eq3A_252, %jit3A_253, %jit3A_250 : i32
      %rem3A_255 = arith.remsi %select_n3A_249, %select_n3A_254 : i32
      %ne3A_256 = arith.constant 0 : i32
      %ne3A_257 = arith.cmpi ne, %rem3A_255, %ne3A_256 : i32
      %lt3A_258 = arith.constant 0 : i32
      %lt3A_259 = arith.cmpi slt, %rem3A_255, %lt3A_258 : i32
      %lt3A_260 = arith.constant 0 : i32
      %lt3A_261 = arith.cmpi slt, %select_n3A_254, %lt3A_260 : i32
      %ne3A_262 = arith.xori %lt3A_259, %lt3A_261 : i1
      %and3A_263 = arith.andi %ne3A_262, %ne3A_257 : i1
      %add3A_264 = arith.addi %rem3A_255, %select_n3A_254 : i32
      %select_n3A_265 = arith.select %and3A_263, %add3A_264, %rem3A_255 : i32
      %jit3A_266 = arith.constant 16 : i32
      %eq3A_267 = arith.constant 0 : i32
      %eq3A_268 = arith.cmpi eq, %jit3A_266, %eq3A_267 : i32
      %jit3A_269 = arith.constant 1 : i32
      %select_n3A_270 = arith.select %eq3A_268, %jit3A_269, %jit3A_266 : i32
      %rem3A_271 = arith.remsi %mul3A_182, %select_n3A_270 : i32
      %ne3A_272 = arith.constant 0 : i32
      %ne3A_273 = arith.cmpi ne, %rem3A_271, %ne3A_272 : i32
      %lt3A_274 = arith.constant 0 : i32
      %lt3A_275 = arith.cmpi slt, %rem3A_271, %lt3A_274 : i32
      %lt3A_276 = arith.constant 0 : i32
      %lt3A_277 = arith.cmpi slt, %select_n3A_270, %lt3A_276 : i32
      %ne3A_278 = arith.xori %lt3A_275, %lt3A_277 : i1
      %and3A_279 = arith.andi %ne3A_278, %ne3A_273 : i1
      %add3A_280 = arith.addi %rem3A_271, %select_n3A_270 : i32
      %select_n3A_281 = arith.select %and3A_279, %add3A_280, %rem3A_271 : i32
      %dma_wait3A_282 = arith.constant 0 : i32
      %dma_wait3A_283 = tpu.memref_slice %arg7[%select_n3A_265, %select_n3A_281, %dma_wait3A_282] : memref<2x16x128xi32, #tpu.memory_space<vmem>> -> memref<1x1x128xi32, #tpu.memory_space<vmem>>
      %dma_wait3A_284 = tpu.memref_squeeze %dma_wait3A_283 : memref<1x1x128xi32, #tpu.memory_space<vmem>> -> memref<128xi32, #tpu.memory_space<vmem>>
      %dma_wait3A_285 = arith.constant 0 : i32
      %dma_wait3A_286 = arith.constant 0 : i32
      %dma_wait3A_287 = tpu.memref_slice %arg4[%dma_wait3A_285, %dma_wait3A_286] : memref<10240x128xf32, #tpu.memory_space<hbm>> -> memref<10240x128xf32, #tpu.memory_space<hbm>>
      tpu.wait_indirect_dma semaphore(%arg11 : memref<!tpu.dma_semaphore, #tpu.memory_space<semaphore_mem>>) src(%dma_wait3A_287 : memref<10240x128xf32, #tpu.memory_space<hbm>>) dst(%arg9 : memref<128x128xf32, #tpu.memory_space<vmem>>)
      %jit3A_288 = arith.constant 16 : i32
      %div3A_289 = arith.divsi %add3A_184, %jit3A_288 : i32
      %sign3A_290 = arith.constant 0 : i32
      %sign3A_291 = arith.cmpi sgt, %add3A_184, %sign3A_290 : i32
      %sign3A_292 = arith.extui %sign3A_291 : i1 to i32
      %sign3A_293 = arith.constant 0 : i32
      %sign3A_294 = arith.cmpi slt, %add3A_184, %sign3A_293 : i32
      %sign3A_295 = arith.extui %sign3A_294 : i1 to i32
      %sign3A_296 = arith.subi %sign3A_292, %sign3A_295 : i32
      %sign3A_297 = arith.constant 0 : i32
      %sign3A_298 = arith.cmpi sgt, %jit3A_288, %sign3A_297 : i32
      %sign3A_299 = arith.extui %sign3A_298 : i1 to i32
      %sign3A_300 = arith.constant 0 : i32
      %sign3A_301 = arith.cmpi slt, %jit3A_288, %sign3A_300 : i32
      %sign3A_302 = arith.extui %sign3A_301 : i1 to i32
      %sign3A_303 = arith.subi %sign3A_299, %sign3A_302 : i32
      %ne3A_304 = arith.cmpi ne, %sign3A_296, %sign3A_303 : i32
      %rem3A_305 = arith.remsi %add3A_184, %jit3A_288 : i32
      %ne3A_306 = arith.constant 0 : i32
      %ne3A_307 = arith.cmpi ne, %rem3A_305, %ne3A_306 : i32
      %and3A_308 = arith.andi %ne3A_304, %ne3A_307 : i1
      %sub3A_309 = arith.constant 1 : i32
      %sub3A_310 = arith.subi %div3A_289, %sub3A_309 : i32
      %select_n3A_311 = arith.select %and3A_308, %sub3A_310, %div3A_289 : i32
      %jit3A_312 = arith.constant 2 : i32
      %eq3A_313 = arith.constant 0 : i32
      %eq3A_314 = arith.cmpi eq, %jit3A_312, %eq3A_313 : i32
      %jit3A_315 = arith.constant 1 : i32
      %select_n3A_316 = arith.select %eq3A_314, %jit3A_315, %jit3A_312 : i32
      %rem3A_317 = arith.remsi %select_n3A_311, %select_n3A_316 : i32
      %ne3A_318 = arith.constant 0 : i32
      %ne3A_319 = arith.cmpi ne, %rem3A_317, %ne3A_318 : i32
      %lt3A_320 = arith.constant 0 : i32
      %lt3A_321 = arith.cmpi slt, %rem3A_317, %lt3A_320 : i32
      %lt3A_322 = arith.constant 0 : i32
      %lt3A_323 = arith.cmpi slt, %select_n3A_316, %lt3A_322 : i32
      %ne3A_324 = arith.xori %lt3A_321, %lt3A_323 : i1
      %and3A_325 = arith.andi %ne3A_324, %ne3A_319 : i1
      %add3A_326 = arith.addi %rem3A_317, %select_n3A_316 : i32
      %select_n3A_327 = arith.select %and3A_325, %add3A_326, %rem3A_317 : i32
      %jit3A_328 = arith.constant 16 : i32
      %eq3A_329 = arith.constant 0 : i32
      %eq3A_330 = arith.cmpi eq, %jit3A_328, %eq3A_329 : i32
      %jit3A_331 = arith.constant 1 : i32
      %select_n3A_332 = arith.select %eq3A_330, %jit3A_331, %jit3A_328 : i32
      %rem3A_333 = arith.remsi %add3A_184, %select_n3A_332 : i32
      %ne3A_334 = arith.constant 0 : i32
      %ne3A_335 = arith.cmpi ne, %rem3A_333, %ne3A_334 : i32
      %lt3A_336 = arith.constant 0 : i32
      %lt3A_337 = arith.cmpi slt, %rem3A_333, %lt3A_336 : i32
      %lt3A_338 = arith.constant 0 : i32
      %lt3A_339 = arith.cmpi slt, %select_n3A_332, %lt3A_338 : i32
      %ne3A_340 = arith.xori %lt3A_337, %lt3A_339 : i1
      %and3A_341 = arith.andi %ne3A_340, %ne3A_335 : i1
      %add3A_342 = arith.addi %rem3A_333, %select_n3A_332 : i32
      %select_n3A_343 = arith.select %and3A_341, %add3A_342, %rem3A_333 : i32
      %dma_start3A_344 = arith.constant 0 : i32
      %dma_start3A_345 = tpu.memref_slice %arg7[%select_n3A_327, %select_n3A_343, %dma_start3A_344] : memref<2x16x128xi32, #tpu.memory_space<vmem>> -> memref<1x1x128xi32, #tpu.memory_space<vmem>>
      %dma_start3A_346 = tpu.memref_squeeze %dma_start3A_345 : memref<1x1x128xi32, #tpu.memory_space<vmem>> -> memref<128xi32, #tpu.memory_space<vmem>>
      %dma_start3A_347 = arith.constant 0 : i32
      %dma_start3A_348 = arith.constant 0 : i32
      %dma_start3A_349 = tpu.memref_slice %arg4[%dma_start3A_347, %dma_start3A_348] : memref<10240x128xf32, #tpu.memory_space<hbm>> -> memref<10240x128xf32, #tpu.memory_space<hbm>>
      tpu.enqueue_indirect_dma source(%dma_start3A_349 : memref<10240x128xf32, #tpu.memory_space<hbm>>) target(%arg10 : memref<128x128xf32, #tpu.memory_space<vmem>>) offsets(%dma_start3A_346 : memref<128xi32, #tpu.memory_space<vmem>>) semaphore(%arg12 : memref<!tpu.dma_semaphore, #tpu.memory_space<semaphore_mem>>)
      %jit3A_350 = arith.constant 16 : i32
      %div3A_351 = arith.divsi %mul3A_182, %jit3A_350 : i32
      %sign3A_352 = arith.constant 0 : i32
      %sign3A_353 = arith.cmpi sgt, %mul3A_182, %sign3A_352 : i32
      %sign3A_354 = arith.extui %sign3A_353 : i1 to i32
      %sign3A_355 = arith.constant 0 : i32
      %sign3A_356 = arith.cmpi slt, %mul3A_182, %sign3A_355 : i32
      %sign3A_357 = arith.extui %sign3A_356 : i1 to i32
      %sign3A_358 = arith.subi %sign3A_354, %sign3A_357 : i32
      %sign3A_359 = arith.constant 0 : i32
      %sign3A_360 = arith.cmpi sgt, %jit3A_350, %sign3A_359 : i32
      %sign3A_361 = arith.extui %sign3A_360 : i1 to i32
      %sign3A_362 = arith.constant 0 : i32
      %sign3A_363 = arith.cmpi slt, %jit3A_350, %sign3A_362 : i32
      %sign3A_364 = arith.extui %sign3A_363 : i1 to i32
      %sign3A_365 = arith.subi %sign3A_361, %sign3A_364 : i32
      %ne3A_366 = arith.cmpi ne, %sign3A_358, %sign3A_365 : i32
      %rem3A_367 = arith.remsi %mul3A_182, %jit3A_350 : i32
      %ne3A_368 = arith.constant 0 : i32
      %ne3A_369 = arith.cmpi ne, %rem3A_367, %ne3A_368 : i32
      %and3A_370 = arith.andi %ne3A_366, %ne3A_369 : i1
      %sub3A_371 = arith.constant 1 : i32
      %sub3A_372 = arith.subi %div3A_351, %sub3A_371 : i32
      %select_n3A_373 = arith.select %and3A_370, %sub3A_372, %div3A_351 : i32
      %jit3A_374 = arith.constant 2 : i32
      %eq3A_375 = arith.constant 0 : i32
      %eq3A_376 = arith.cmpi eq, %jit3A_374, %eq3A_375 : i32
      %jit3A_377 = arith.constant 1 : i32
      %select_n3A_378 = arith.select %eq3A_376, %jit3A_377, %jit3A_374 : i32
      %rem3A_379 = arith.remsi %select_n3A_373, %select_n3A_378 : i32
      %ne3A_380 = arith.constant 0 : i32
      %ne3A_381 = arith.cmpi ne, %rem3A_379, %ne3A_380 : i32
      %lt3A_382 = arith.constant 0 : i32
      %lt3A_383 = arith.cmpi slt, %rem3A_379, %lt3A_382 : i32
      %lt3A_384 = arith.constant 0 : i32
      %lt3A_385 = arith.cmpi slt, %select_n3A_378, %lt3A_384 : i32
      %ne3A_386 = arith.xori %lt3A_383, %lt3A_385 : i1
      %and3A_387 = arith.andi %ne3A_386, %ne3A_381 : i1
      %add3A_388 = arith.addi %rem3A_379, %select_n3A_378 : i32
      %select_n3A_389 = arith.select %and3A_387, %add3A_388, %rem3A_379 : i32
      %jit3A_390 = arith.constant 16 : i32
      %eq3A_391 = arith.constant 0 : i32
      %eq3A_392 = arith.cmpi eq, %jit3A_390, %eq3A_391 : i32
      %jit3A_393 = arith.constant 1 : i32
      %select_n3A_394 = arith.select %eq3A_392, %jit3A_393, %jit3A_390 : i32
      %rem3A_395 = arith.remsi %mul3A_182, %select_n3A_394 : i32
      %ne3A_396 = arith.constant 0 : i32
      %ne3A_397 = arith.cmpi ne, %rem3A_395, %ne3A_396 : i32
      %lt3A_398 = arith.constant 0 : i32
      %lt3A_399 = arith.cmpi slt, %rem3A_395, %lt3A_398 : i32
      %lt3A_400 = arith.constant 0 : i32
      %lt3A_401 = arith.cmpi slt, %select_n3A_394, %lt3A_400 : i32
      %ne3A_402 = arith.xori %lt3A_399, %lt3A_401 : i1
      %and3A_403 = arith.andi %ne3A_402, %ne3A_397 : i1
      %add3A_404 = arith.addi %rem3A_395, %select_n3A_394 : i32
      %select_n3A_405 = arith.select %and3A_403, %add3A_404, %rem3A_395 : i32
      "tpu.region"() ({
        %run_scoped3A_544 = tpu.sem_alloc : memref<!tpu.dma_semaphore, #tpu.memory_space<semaphore_mem>>
        %dma_start3A_545 = arith.constant 0 : i32
        %dma_start3A_546 = tpu.memref_slice %arg8[%select_n3A_389, %select_n3A_405, %dma_start3A_545] : memref<2x16x128xi32, #tpu.memory_space<vmem>> -> memref<1x1x128xi32, #tpu.memory_space<vmem>>
        %dma_start3A_547 = tpu.memref_squeeze %dma_start3A_546 : memref<1x1x128xi32, #tpu.memory_space<vmem>> -> memref<128xi32, #tpu.memory_space<vmem>>
        %dma_start3A_548 = arith.constant 0 : i32
        %dma_start3A_549 = arith.constant 0 : i32
        %dma_start3A_550 = tpu.memref_slice %arg15[%dma_start3A_548, %dma_start3A_549] : memref<10240x128xf32, #tpu.memory_space<vmem_shared>> -> memref<10240x128xf32, #tpu.memory_space<vmem_shared>>
        tpu.enqueue_indirect_dma source(%arg9 : memref<128x128xf32, #tpu.memory_space<vmem>>) target(%dma_start3A_550 : memref<10240x128xf32, #tpu.memory_space<vmem_shared>>) offsets(%dma_start3A_547 : memref<128xi32, #tpu.memory_space<vmem>>) semaphore(%run_scoped3A_544 : memref<!tpu.dma_semaphore, #tpu.memory_space<semaphore_mem>>) {add = true}
        %dma_wait3A_551 = arith.constant 0 : i32
        %dma_wait3A_552 = tpu.memref_slice %arg8[%select_n3A_389, %select_n3A_405, %dma_wait3A_551] : memref<2x16x128xi32, #tpu.memory_space<vmem>> -> memref<1x1x128xi32, #tpu.memory_space<vmem>>
        %dma_wait3A_553 = tpu.memref_squeeze %dma_wait3A_552 : memref<1x1x128xi32, #tpu.memory_space<vmem>> -> memref<128xi32, #tpu.memory_space<vmem>>
        %dma_wait3A_554 = arith.constant 0 : i32
        %dma_wait3A_555 = arith.constant 0 : i32
        %dma_wait3A_556 = tpu.memref_slice %arg15[%dma_wait3A_554, %dma_wait3A_555] : memref<10240x128xf32, #tpu.memory_space<vmem_shared>> -> memref<10240x128xf32, #tpu.memory_space<vmem_shared>>
        tpu.wait_indirect_dma semaphore(%run_scoped3A_544 : memref<!tpu.dma_semaphore, #tpu.memory_space<semaphore_mem>>) src(%arg9 : memref<128x128xf32, #tpu.memory_space<vmem>>) dst(%dma_wait3A_556 : memref<10240x128xf32, #tpu.memory_space<vmem_shared>>)
        tpu.yield
      }) : () -> ()
      %sub3A_406 = arith.constant 1 : i32
      %sub3A_407 = arith.subi %select_n3A_19, %sub3A_406 : i32
      %lt3A_408 = arith.cmpi slt, %select_n3A_208, %sub3A_407 : i32
      %and3A_409 = arith.andi %eq3A_225, %lt3A_408 : i1
      %convert_element_type3A_410 = arith.extui %and3A_409 : i1 to i32
      %cond3A_411 = arith.constant 0 : i32
      %cond3A_412 = arith.cmpi ne, %convert_element_type3A_410, %cond3A_411 : i32
      scf.if %cond3A_412 {
        %dma_wait3A_544 = arith.constant 0 : i32
        %dma_wait3A_545 = arith.constant 0 : i32
        %dma_wait3A_546 = arith.constant 0 : i32
        %dma_wait3A_547 = tpu.memref_slice %arg7[%dma_wait3A_544, %dma_wait3A_545, %dma_wait3A_546] : memref<2x16x128xi32, #tpu.memory_space<vmem>> -> memref<1x16x128xi32, #tpu.memory_space<vmem>>
        %dma_wait3A_548 = tpu.memref_squeeze %dma_wait3A_547 : memref<1x16x128xi32, #tpu.memory_space<vmem>> -> memref<16x128xi32, #tpu.memory_space<vmem>>
        %dma_wait3A_549 = arith.constant 0 : i32
        %dma_wait3A_550 = arith.constant 0 : i32
        %dma_wait3A_551 = tpu.memref_slice %arg2[%dma_wait3A_549, %dma_wait3A_550] : memref<2560x128xi32, #tpu.memory_space<hbm>> -> memref<16x128xi32, #tpu.memory_space<hbm>>
        %dma_wait3A_552 = arith.constant 0 : i32
        %dma_wait3A_553 = arith.constant 0 : i32
        %dma_wait3A_554 = tpu.memref_slice %arg7[%dma_wait3A_544, %dma_wait3A_552, %dma_wait3A_553] : memref<2x16x128xi32, #tpu.memory_space<vmem>> -> memref<1x16x128xi32, #tpu.memory_space<vmem>>
        %dma_wait3A_555 = tpu.memref_squeeze %dma_wait3A_554 : memref<1x16x128xi32, #tpu.memory_space<vmem>> -> memref<16x128xi32, #tpu.memory_space<vmem>>
        %dma_wait3A_556 = arith.constant 0 : i32
        %dma_wait3A_557 = arith.constant 0 : i32
        %dma_wait3A_558 = tpu.memref_slice %arg2[%dma_wait3A_556, %dma_wait3A_557] : memref<2560x128xi32, #tpu.memory_space<hbm>> -> memref<16x128xi32, #tpu.memory_space<hbm>>
        tpu.wait_dma2 semaphore(%arg13 : memref<!tpu.dma_semaphore, #tpu.memory_space<semaphore_mem>>) src(%dma_wait3A_558 : memref<16x128xi32, #tpu.memory_space<hbm>>) dst(%dma_wait3A_555 : memref<16x128xi32, #tpu.memory_space<vmem>>)
        %dma_wait3A_559 = arith.constant 0 : i32
        %dma_wait3A_560 = arith.constant 0 : i32
        %dma_wait3A_561 = arith.constant 0 : i32
        %dma_wait3A_562 = tpu.memref_slice %arg7[%dma_wait3A_559, %dma_wait3A_560, %dma_wait3A_561] : memref<2x16x128xi32, #tpu.memory_space<vmem>> -> memref<1x16x128xi32, #tpu.memory_space<vmem>>
        %dma_wait3A_563 = tpu.memref_squeeze %dma_wait3A_562 : memref<1x16x128xi32, #tpu.memory_space<vmem>> -> memref<16x128xi32, #tpu.memory_space<vmem>>
        %dma_wait3A_564 = arith.constant 0 : i32
        %dma_wait3A_565 = arith.constant 0 : i32
        %dma_wait3A_566 = tpu.memref_slice %arg2[%dma_wait3A_564, %dma_wait3A_565] : memref<2560x128xi32, #tpu.memory_space<hbm>> -> memref<16x128xi32, #tpu.memory_space<hbm>>
        %dma_wait3A_567 = arith.constant 0 : i32
        %dma_wait3A_568 = arith.constant 0 : i32
        %dma_wait3A_569 = tpu.memref_slice %arg7[%dma_wait3A_559, %dma_wait3A_567, %dma_wait3A_568] : memref<2x16x128xi32, #tpu.memory_space<vmem>> -> memref<1x16x128xi32, #tpu.memory_space<vmem>>
        %dma_wait3A_570 = tpu.memref_squeeze %dma_wait3A_569 : memref<1x16x128xi32, #tpu.memory_space<vmem>> -> memref<16x128xi32, #tpu.memory_space<vmem>>
        %dma_wait3A_571 = arith.constant 0 : i32
        %dma_wait3A_572 = arith.constant 0 : i32
        %dma_wait3A_573 = tpu.memref_slice %arg2[%dma_wait3A_571, %dma_wait3A_572] : memref<2560x128xi32, #tpu.memory_space<hbm>> -> memref<16x128xi32, #tpu.memory_space<hbm>>
        tpu.wait_dma2 semaphore(%arg13 : memref<!tpu.dma_semaphore, #tpu.memory_space<semaphore_mem>>) src(%dma_wait3A_573 : memref<16x128xi32, #tpu.memory_space<hbm>>) dst(%dma_wait3A_570 : memref<16x128xi32, #tpu.memory_space<vmem>>)
      } else {
      }
      %jit3A_413 = arith.constant 16 : i32
      %div3A_414 = arith.divsi %add3A_184, %jit3A_413 : i32
      %sign3A_415 = arith.constant 0 : i32
      %sign3A_416 = arith.cmpi sgt, %add3A_184, %sign3A_415 : i32
      %sign3A_417 = arith.extui %sign3A_416 : i1 to i32
      %sign3A_418 = arith.constant 0 : i32
      %sign3A_419 = arith.cmpi slt, %add3A_184, %sign3A_418 : i32
      %sign3A_420 = arith.extui %sign3A_419 : i1 to i32
      %sign3A_421 = arith.subi %sign3A_417, %sign3A_420 : i32
      %sign3A_422 = arith.constant 0 : i32
      %sign3A_423 = arith.cmpi sgt, %jit3A_413, %sign3A_422 : i32
      %sign3A_424 = arith.extui %sign3A_423 : i1 to i32
      %sign3A_425 = arith.constant 0 : i32
      %sign3A_426 = arith.cmpi slt, %jit3A_413, %sign3A_425 : i32
      %sign3A_427 = arith.extui %sign3A_426 : i1 to i32
      %sign3A_428 = arith.subi %sign3A_424, %sign3A_427 : i32
      %ne3A_429 = arith.cmpi ne, %sign3A_421, %sign3A_428 : i32
      %rem3A_430 = arith.remsi %add3A_184, %jit3A_413 : i32
      %ne3A_431 = arith.constant 0 : i32
      %ne3A_432 = arith.cmpi ne, %rem3A_430, %ne3A_431 : i32
      %and3A_433 = arith.andi %ne3A_429, %ne3A_432 : i1
      %sub3A_434 = arith.constant 1 : i32
      %sub3A_435 = arith.subi %div3A_414, %sub3A_434 : i32
      %select_n3A_436 = arith.select %and3A_433, %sub3A_435, %div3A_414 : i32
      %jit3A_437 = arith.constant 2 : i32
      %eq3A_438 = arith.constant 0 : i32
      %eq3A_439 = arith.cmpi eq, %jit3A_437, %eq3A_438 : i32
      %jit3A_440 = arith.constant 1 : i32
      %select_n3A_441 = arith.select %eq3A_439, %jit3A_440, %jit3A_437 : i32
      %rem3A_442 = arith.remsi %select_n3A_436, %select_n3A_441 : i32
      %ne3A_443 = arith.constant 0 : i32
      %ne3A_444 = arith.cmpi ne, %rem3A_442, %ne3A_443 : i32
      %lt3A_445 = arith.constant 0 : i32
      %lt3A_446 = arith.cmpi slt, %rem3A_442, %lt3A_445 : i32
      %lt3A_447 = arith.constant 0 : i32
      %lt3A_448 = arith.cmpi slt, %select_n3A_441, %lt3A_447 : i32
      %ne3A_449 = arith.xori %lt3A_446, %lt3A_448 : i1
      %and3A_450 = arith.andi %ne3A_449, %ne3A_444 : i1
      %add3A_451 = arith.addi %rem3A_442, %select_n3A_441 : i32
      %select_n3A_452 = arith.select %and3A_450, %add3A_451, %rem3A_442 : i32
      %jit3A_453 = arith.constant 16 : i32
      %eq3A_454 = arith.constant 0 : i32
      %eq3A_455 = arith.cmpi eq, %jit3A_453, %eq3A_454 : i32
      %jit3A_456 = arith.constant 1 : i32
      %select_n3A_457 = arith.select %eq3A_455, %jit3A_456, %jit3A_453 : i32
      %rem3A_458 = arith.remsi %add3A_184, %select_n3A_457 : i32
      %ne3A_459 = arith.constant 0 : i32
      %ne3A_460 = arith.cmpi ne, %rem3A_458, %ne3A_459 : i32
      %lt3A_461 = arith.constant 0 : i32
      %lt3A_462 = arith.cmpi slt, %rem3A_458, %lt3A_461 : i32
      %lt3A_463 = arith.constant 0 : i32
      %lt3A_464 = arith.cmpi slt, %select_n3A_457, %lt3A_463 : i32
      %ne3A_465 = arith.xori %lt3A_462, %lt3A_464 : i1
      %and3A_466 = arith.andi %ne3A_465, %ne3A_460 : i1
      %add3A_467 = arith.addi %rem3A_458, %select_n3A_457 : i32
      %select_n3A_468 = arith.select %and3A_466, %add3A_467, %rem3A_458 : i32
      %dma_wait3A_469 = arith.constant 0 : i32
      %dma_wait3A_470 = tpu.memref_slice %arg7[%select_n3A_452, %select_n3A_468, %dma_wait3A_469] : memref<2x16x128xi32, #tpu.memory_space<vmem>> -> memref<1x1x128xi32, #tpu.memory_space<vmem>>
      %dma_wait3A_471 = tpu.memref_squeeze %dma_wait3A_470 : memref<1x1x128xi32, #tpu.memory_space<vmem>> -> memref<128xi32, #tpu.memory_space<vmem>>
      %dma_wait3A_472 = arith.constant 0 : i32
      %dma_wait3A_473 = arith.constant 0 : i32
      %dma_wait3A_474 = tpu.memref_slice %arg4[%dma_wait3A_472, %dma_wait3A_473] : memref<10240x128xf32, #tpu.memory_space<hbm>> -> memref<10240x128xf32, #tpu.memory_space<hbm>>
      tpu.wait_indirect_dma semaphore(%arg12 : memref<!tpu.dma_semaphore, #tpu.memory_space<semaphore_mem>>) src(%dma_wait3A_474 : memref<10240x128xf32, #tpu.memory_space<hbm>>) dst(%arg10 : memref<128x128xf32, #tpu.memory_space<vmem>>)
      %add3A_475 = arith.constant 2 : i32
      %add3A_476 = arith.addi %mul3A_182, %add3A_475 : i32
      %lt3A_477 = arith.cmpi slt, %add3A_476, %select_n3A : i32
      %convert_element_type3A_478 = arith.extui %lt3A_477 : i1 to i32
      %cond3A_479 = arith.constant 0 : i32
      %cond3A_480 = arith.cmpi ne, %convert_element_type3A_478, %cond3A_479 : i32
      scf.if %cond3A_480 {
        %add3A_544 = arith.constant 2 : i32
        %add3A_545 = arith.addi %mul3A_182, %add3A_544 : i32
        %jit3A_546 = arith.constant 16 : i32
        %div3A_547 = arith.divsi %add3A_545, %jit3A_546 : i32
        %sign3A_548 = arith.constant 0 : i32
        %sign3A_549 = arith.cmpi sgt, %add3A_545, %sign3A_548 : i32
        %sign3A_550 = arith.extui %sign3A_549 : i1 to i32
        %sign3A_551 = arith.constant 0 : i32
        %sign3A_552 = arith.cmpi slt, %add3A_545, %sign3A_551 : i32
        %sign3A_553 = arith.extui %sign3A_552 : i1 to i32
        %sign3A_554 = arith.subi %sign3A_550, %sign3A_553 : i32
        %sign3A_555 = arith.constant 0 : i32
        %sign3A_556 = arith.cmpi sgt, %jit3A_546, %sign3A_555 : i32
        %sign3A_557 = arith.extui %sign3A_556 : i1 to i32
        %sign3A_558 = arith.constant 0 : i32
        %sign3A_559 = arith.cmpi slt, %jit3A_546, %sign3A_558 : i32
        %sign3A_560 = arith.extui %sign3A_559 : i1 to i32
        %sign3A_561 = arith.subi %sign3A_557, %sign3A_560 : i32
        %ne3A_562 = arith.cmpi ne, %sign3A_554, %sign3A_561 : i32
        %rem3A_563 = arith.remsi %add3A_545, %jit3A_546 : i32
        %ne3A_564 = arith.constant 0 : i32
        %ne3A_565 = arith.cmpi ne, %rem3A_563, %ne3A_564 : i32
        %and3A_566 = arith.andi %ne3A_562, %ne3A_565 : i1
        %sub3A_567 = arith.constant 1 : i32
        %sub3A_568 = arith.subi %div3A_547, %sub3A_567 : i32
        %select_n3A_569 = arith.select %and3A_566, %sub3A_568, %div3A_547 : i32
        %jit3A_570 = arith.constant 2 : i32
        %eq3A_571 = arith.constant 0 : i32
        %eq3A_572 = arith.cmpi eq, %jit3A_570, %eq3A_571 : i32
        %jit3A_573 = arith.constant 1 : i32
        %select_n3A_574 = arith.select %eq3A_572, %jit3A_573, %jit3A_570 : i32
        %rem3A_575 = arith.remsi %select_n3A_569, %select_n3A_574 : i32
        %ne3A_576 = arith.constant 0 : i32
        %ne3A_577 = arith.cmpi ne, %rem3A_575, %ne3A_576 : i32
        %lt3A_578 = arith.constant 0 : i32
        %lt3A_579 = arith.cmpi slt, %rem3A_575, %lt3A_578 : i32
        %lt3A_580 = arith.constant 0 : i32
        %lt3A_581 = arith.cmpi slt, %select_n3A_574, %lt3A_580 : i32
        %ne3A_582 = arith.xori %lt3A_579, %lt3A_581 : i1
        %and3A_583 = arith.andi %ne3A_582, %ne3A_577 : i1
        %add3A_584 = arith.addi %rem3A_575, %select_n3A_574 : i32
        %select_n3A_585 = arith.select %and3A_583, %add3A_584, %rem3A_575 : i32
        %jit3A_586 = arith.constant 16 : i32
        %eq3A_587 = arith.constant 0 : i32
        %eq3A_588 = arith.cmpi eq, %jit3A_586, %eq3A_587 : i32
        %jit3A_589 = arith.constant 1 : i32
        %select_n3A_590 = arith.select %eq3A_588, %jit3A_589, %jit3A_586 : i32
        %rem3A_591 = arith.remsi %add3A_545, %select_n3A_590 : i32
        %ne3A_592 = arith.constant 0 : i32
        %ne3A_593 = arith.cmpi ne, %rem3A_591, %ne3A_592 : i32
        %lt3A_594 = arith.constant 0 : i32
        %lt3A_595 = arith.cmpi slt, %rem3A_591, %lt3A_594 : i32
        %lt3A_596 = arith.constant 0 : i32
        %lt3A_597 = arith.cmpi slt, %select_n3A_590, %lt3A_596 : i32
        %ne3A_598 = arith.xori %lt3A_595, %lt3A_597 : i1
        %and3A_599 = arith.andi %ne3A_598, %ne3A_593 : i1
        %add3A_600 = arith.addi %rem3A_591, %select_n3A_590 : i32
        %select_n3A_601 = arith.select %and3A_599, %add3A_600, %rem3A_591 : i32
        %dma_start3A_602 = arith.constant 0 : i32
        %dma_start3A_603 = tpu.memref_slice %arg7[%select_n3A_585, %select_n3A_601, %dma_start3A_602] : memref<2x16x128xi32, #tpu.memory_space<vmem>> -> memref<1x1x128xi32, #tpu.memory_space<vmem>>
        %dma_start3A_604 = tpu.memref_squeeze %dma_start3A_603 : memref<1x1x128xi32, #tpu.memory_space<vmem>> -> memref<128xi32, #tpu.memory_space<vmem>>
        %dma_start3A_605 = arith.constant 0 : i32
        %dma_start3A_606 = arith.constant 0 : i32
        %dma_start3A_607 = tpu.memref_slice %arg4[%dma_start3A_605, %dma_start3A_606] : memref<10240x128xf32, #tpu.memory_space<hbm>> -> memref<10240x128xf32, #tpu.memory_space<hbm>>
        tpu.enqueue_indirect_dma source(%dma_start3A_607 : memref<10240x128xf32, #tpu.memory_space<hbm>>) target(%arg9 : memref<128x128xf32, #tpu.memory_space<vmem>>) offsets(%dma_start3A_604 : memref<128xi32, #tpu.memory_space<vmem>>) semaphore(%arg11 : memref<!tpu.dma_semaphore, #tpu.memory_space<semaphore_mem>>)
      } else {
      }
      %jit3A_481 = arith.constant 16 : i32
      %div3A_482 = arith.divsi %add3A_184, %jit3A_481 : i32
      %sign3A_483 = arith.constant 0 : i32
      %sign3A_484 = arith.cmpi sgt, %add3A_184, %sign3A_483 : i32
      %sign3A_485 = arith.extui %sign3A_484 : i1 to i32
      %sign3A_486 = arith.constant 0 : i32
      %sign3A_487 = arith.cmpi slt, %add3A_184, %sign3A_486 : i32
      %sign3A_488 = arith.extui %sign3A_487 : i1 to i32
      %sign3A_489 = arith.subi %sign3A_485, %sign3A_488 : i32
      %sign3A_490 = arith.constant 0 : i32
      %sign3A_491 = arith.cmpi sgt, %jit3A_481, %sign3A_490 : i32
      %sign3A_492 = arith.extui %sign3A_491 : i1 to i32
      %sign3A_493 = arith.constant 0 : i32
      %sign3A_494 = arith.cmpi slt, %jit3A_481, %sign3A_493 : i32
      %sign3A_495 = arith.extui %sign3A_494 : i1 to i32
      %sign3A_496 = arith.subi %sign3A_492, %sign3A_495 : i32
      %ne3A_497 = arith.cmpi ne, %sign3A_489, %sign3A_496 : i32
      %rem3A_498 = arith.remsi %add3A_184, %jit3A_481 : i32
      %ne3A_499 = arith.constant 0 : i32
      %ne3A_500 = arith.cmpi ne, %rem3A_498, %ne3A_499 : i32
      %and3A_501 = arith.andi %ne3A_497, %ne3A_500 : i1
      %sub3A_502 = arith.constant 1 : i32
      %sub3A_503 = arith.subi %div3A_482, %sub3A_502 : i32
      %select_n3A_504 = arith.select %and3A_501, %sub3A_503, %div3A_482 : i32
      %jit3A_505 = arith.constant 2 : i32
      %eq3A_506 = arith.constant 0 : i32
      %eq3A_507 = arith.cmpi eq, %jit3A_505, %eq3A_506 : i32
      %jit3A_508 = arith.constant 1 : i32
      %select_n3A_509 = arith.select %eq3A_507, %jit3A_508, %jit3A_505 : i32
      %rem3A_510 = arith.remsi %select_n3A_504, %select_n3A_509 : i32
      %ne3A_511 = arith.constant 0 : i32
      %ne3A_512 = arith.cmpi ne, %rem3A_510, %ne3A_511 : i32
      %lt3A_513 = arith.constant 0 : i32
      %lt3A_514 = arith.cmpi slt, %rem3A_510, %lt3A_513 : i32
      %lt3A_515 = arith.constant 0 : i32
      %lt3A_516 = arith.cmpi slt, %select_n3A_509, %lt3A_515 : i32
      %ne3A_517 = arith.xori %lt3A_514, %lt3A_516 : i1
      %and3A_518 = arith.andi %ne3A_517, %ne3A_512 : i1
      %add3A_519 = arith.addi %rem3A_510, %select_n3A_509 : i32
      %select_n3A_520 = arith.select %and3A_518, %add3A_519, %rem3A_510 : i32
      %jit3A_521 = arith.constant 16 : i32
      %eq3A_522 = arith.constant 0 : i32
      %eq3A_523 = arith.cmpi eq, %jit3A_521, %eq3A_522 : i32
      %jit3A_524 = arith.constant 1 : i32
      %select_n3A_525 = arith.select %eq3A_523, %jit3A_524, %jit3A_521 : i32
      %rem3A_526 = arith.remsi %add3A_184, %select_n3A_525 : i32
      %ne3A_527 = arith.constant 0 : i32
      %ne3A_528 = arith.cmpi ne, %rem3A_526, %ne3A_527 : i32
      %lt3A_529 = arith.constant 0 : i32
      %lt3A_530 = arith.cmpi slt, %rem3A_526, %lt3A_529 : i32
      %lt3A_531 = arith.constant 0 : i32
      %lt3A_532 = arith.cmpi slt, %select_n3A_525, %lt3A_531 : i32
      %ne3A_533 = arith.xori %lt3A_530, %lt3A_532 : i1
      %and3A_534 = arith.andi %ne3A_533, %ne3A_528 : i1
      %add3A_535 = arith.addi %rem3A_526, %select_n3A_525 : i32
      %select_n3A_536 = arith.select %and3A_534, %add3A_535, %rem3A_526 : i32
      "tpu.region"() ({
        %run_scoped3A_544 = tpu.sem_alloc : memref<!tpu.dma_semaphore, #tpu.memory_space<semaphore_mem>>
        %dma_start3A_545 = arith.constant 0 : i32
        %dma_start3A_546 = tpu.memref_slice %arg8[%select_n3A_520, %select_n3A_536, %dma_start3A_545] : memref<2x16x128xi32, #tpu.memory_space<vmem>> -> memref<1x1x128xi32, #tpu.memory_space<vmem>>
        %dma_start3A_547 = tpu.memref_squeeze %dma_start3A_546 : memref<1x1x128xi32, #tpu.memory_space<vmem>> -> memref<128xi32, #tpu.memory_space<vmem>>
        %dma_start3A_548 = arith.constant 0 : i32
        %dma_start3A_549 = arith.constant 0 : i32
        %dma_start3A_550 = tpu.memref_slice %arg15[%dma_start3A_548, %dma_start3A_549] : memref<10240x128xf32, #tpu.memory_space<vmem_shared>> -> memref<10240x128xf32, #tpu.memory_space<vmem_shared>>
        tpu.enqueue_indirect_dma source(%arg10 : memref<128x128xf32, #tpu.memory_space<vmem>>) target(%dma_start3A_550 : memref<10240x128xf32, #tpu.memory_space<vmem_shared>>) offsets(%dma_start3A_547 : memref<128xi32, #tpu.memory_space<vmem>>) semaphore(%run_scoped3A_544 : memref<!tpu.dma_semaphore, #tpu.memory_space<semaphore_mem>>) {add = true}
        %dma_wait3A_551 = arith.constant 0 : i32
        %dma_wait3A_552 = tpu.memref_slice %arg8[%select_n3A_520, %select_n3A_536, %dma_wait3A_551] : memref<2x16x128xi32, #tpu.memory_space<vmem>> -> memref<1x1x128xi32, #tpu.memory_space<vmem>>
        %dma_wait3A_553 = tpu.memref_squeeze %dma_wait3A_552 : memref<1x1x128xi32, #tpu.memory_space<vmem>> -> memref<128xi32, #tpu.memory_space<vmem>>
        %dma_wait3A_554 = arith.constant 0 : i32
        %dma_wait3A_555 = arith.constant 0 : i32
        %dma_wait3A_556 = tpu.memref_slice %arg15[%dma_wait3A_554, %dma_wait3A_555] : memref<10240x128xf32, #tpu.memory_space<vmem_shared>> -> memref<10240x128xf32, #tpu.memory_space<vmem_shared>>
        tpu.wait_indirect_dma semaphore(%run_scoped3A_544 : memref<!tpu.dma_semaphore, #tpu.memory_space<semaphore_mem>>) src(%arg10 : memref<128x128xf32, #tpu.memory_space<vmem>>) dst(%dma_wait3A_556 : memref<10240x128xf32, #tpu.memory_space<vmem_shared>>)
        tpu.yield
      }) : () -> ()
      %sub3A_537 = arith.constant 2 : i32
      %sub3A_538 = arith.subi %select_n3A_19, %sub3A_537 : i32
      %lt3A_539 = arith.cmpi slt, %select_n3A_208, %sub3A_538 : i32
      %and3A_540 = arith.andi %eq3A_225, %lt3A_539 : i1
      %convert_element_type3A_541 = arith.extui %and3A_540 : i1 to i32
      %cond3A_542 = arith.constant 0 : i32
      %cond3A_543 = arith.cmpi ne, %convert_element_type3A_541, %cond3A_542 : i32
      scf.if %cond3A_543 {
        %add3A_544 = arith.constant 2 : i32
        %add3A_545 = arith.addi %select_n3A_208, %add3A_544 : i32
        %mul3A_546 = arith.constant 16 : i32
        %mul3A_547 = arith.muli %add3A_545, %mul3A_546 : i32
        %add3A_548 = arith.addi %multiple_of3A, %mul3A_547 : i32
        %multiple_of3A_549 = tpu.assume_multiple %add3A_548, 8 : i32
        %jit3A_550 = arith.constant 2 : i32
        %eq3A_551 = arith.constant 0 : i32
        %eq3A_552 = arith.cmpi eq, %jit3A_550, %eq3A_551 : i32
        %jit3A_553 = arith.constant 1 : i32
        %select_n3A_554 = arith.select %eq3A_552, %jit3A_553, %jit3A_550 : i32
        %rem3A_555 = arith.remsi %select_n3A_208, %select_n3A_554 : i32
        %ne3A_556 = arith.constant 0 : i32
        %ne3A_557 = arith.cmpi ne, %rem3A_555, %ne3A_556 : i32
        %lt3A_558 = arith.constant 0 : i32
        %lt3A_559 = arith.cmpi slt, %rem3A_555, %lt3A_558 : i32
        %lt3A_560 = arith.constant 0 : i32
        %lt3A_561 = arith.cmpi slt, %select_n3A_554, %lt3A_560 : i32
        %ne3A_562 = arith.xori %lt3A_559, %lt3A_561 : i1
        %and3A_563 = arith.andi %ne3A_562, %ne3A_557 : i1
        %add3A_564 = arith.addi %rem3A_555, %select_n3A_554 : i32
        %select_n3A_565 = arith.select %and3A_563, %add3A_564, %rem3A_555 : i32
        %dma_start3A_566 = arith.constant 0 : i32
        %dma_start3A_567 = arith.constant 0 : i32
        %dma_start3A_568 = tpu.memref_slice %arg7[%select_n3A_565, %dma_start3A_566, %dma_start3A_567] : memref<2x16x128xi32, #tpu.memory_space<vmem>> -> memref<1x16x128xi32, #tpu.memory_space<vmem>>
        %dma_start3A_569 = tpu.memref_squeeze %dma_start3A_568 : memref<1x16x128xi32, #tpu.memory_space<vmem>> -> memref<16x128xi32, #tpu.memory_space<vmem>>
        %dma_start3A_570 = arith.constant 0 : i32
        %dma_start3A_571 = tpu.memref_slice %arg2[%multiple_of3A_549, %dma_start3A_570] : memref<2560x128xi32, #tpu.memory_space<hbm>> -> memref<16x128xi32, #tpu.memory_space<hbm>>
        %dma_start3A_572 = arith.constant 0 : i32
        %dma_start3A_573 = arith.constant 0 : i32
        %dma_start3A_574 = tpu.memref_slice %arg7[%select_n3A_565, %dma_start3A_572, %dma_start3A_573] : memref<2x16x128xi32, #tpu.memory_space<vmem>> -> memref<1x16x128xi32, #tpu.memory_space<vmem>>
        %dma_start3A_575 = tpu.memref_squeeze %dma_start3A_574 : memref<1x16x128xi32, #tpu.memory_space<vmem>> -> memref<16x128xi32, #tpu.memory_space<vmem>>
        %dma_start3A_576 = arith.constant 0 : i32
        %dma_start3A_577 = tpu.memref_slice %arg2[%multiple_of3A_549, %dma_start3A_576] : memref<2560x128xi32, #tpu.memory_space<hbm>> -> memref<16x128xi32, #tpu.memory_space<hbm>>
        tpu.enqueue_dma source(%dma_start3A_577 : memref<16x128xi32, #tpu.memory_space<hbm>>) target(%dma_start3A_575 : memref<16x128xi32, #tpu.memory_space<vmem>>) target_semaphore(%arg13 : memref<!tpu.dma_semaphore, #tpu.memory_space<semaphore_mem>>)
        %dma_start3A_578 = arith.constant 0 : i32
        %dma_start3A_579 = arith.constant 0 : i32
        %dma_start3A_580 = tpu.memref_slice %arg8[%select_n3A_565, %dma_start3A_578, %dma_start3A_579] : memref<2x16x128xi32, #tpu.memory_space<vmem>> -> memref<1x16x128xi32, #tpu.memory_space<vmem>>
        %dma_start3A_581 = tpu.memref_squeeze %dma_start3A_580 : memref<1x16x128xi32, #tpu.memory_space<vmem>> -> memref<16x128xi32, #tpu.memory_space<vmem>>
        %dma_start3A_582 = arith.constant 0 : i32
        %dma_start3A_583 = tpu.memref_slice %arg3[%multiple_of3A_549, %dma_start3A_582] : memref<2560x128xi32, #tpu.memory_space<hbm>> -> memref<16x128xi32, #tpu.memory_space<hbm>>
        %dma_start3A_584 = arith.constant 0 : i32
        %dma_start3A_585 = arith.constant 0 : i32
        %dma_start3A_586 = tpu.memref_slice %arg8[%select_n3A_565, %dma_start3A_584, %dma_start3A_585] : memref<2x16x128xi32, #tpu.memory_space<vmem>> -> memref<1x16x128xi32, #tpu.memory_space<vmem>>
        %dma_start3A_587 = tpu.memref_squeeze %dma_start3A_586 : memref<1x16x128xi32, #tpu.memory_space<vmem>> -> memref<16x128xi32, #tpu.memory_space<vmem>>
        %dma_start3A_588 = arith.constant 0 : i32
        %dma_start3A_589 = tpu.memref_slice %arg3[%multiple_of3A_549, %dma_start3A_588] : memref<2560x128xi32, #tpu.memory_space<hbm>> -> memref<16x128xi32, #tpu.memory_space<hbm>>
        tpu.enqueue_dma source(%dma_start3A_589 : memref<16x128xi32, #tpu.memory_space<hbm>>) target(%dma_start3A_587 : memref<16x128xi32, #tpu.memory_space<vmem>>) target_semaphore(%arg13 : memref<!tpu.dma_semaphore, #tpu.memory_space<semaphore_mem>>)
      } else {
      }
    }
    %while3A_108 = arith.constant 1 : i32
    scf.for %while3A_180 = %while3A_106 to %while3A_102 step %while3A_108  : i32 {
      %mul3A_181 = arith.constant 2 : i32
      %mul3A_182 = arith.muli %mul3A_181, %while3A_180 : i32
      %add3A_183 = arith.constant 1 : i32
      %add3A_184 = arith.addi %mul3A_182, %add3A_183 : i32
      %jit3A_185 = arith.constant 8 : i32
      %div3A_186 = arith.divsi %while3A_180, %jit3A_185 : i32
      %sign3A_187 = arith.constant 0 : i32
      %sign3A_188 = arith.cmpi sgt, %while3A_180, %sign3A_187 : i32
      %sign3A_189 = arith.extui %sign3A_188 : i1 to i32
      %sign3A_190 = arith.constant 0 : i32
      %sign3A_191 = arith.cmpi slt, %while3A_180, %sign3A_190 : i32
      %sign3A_192 = arith.extui %sign3A_191 : i1 to i32
      %sign3A_193 = arith.subi %sign3A_189, %sign3A_192 : i32
      %sign3A_194 = arith.constant 0 : i32
      %sign3A_195 = arith.cmpi sgt, %jit3A_185, %sign3A_194 : i32
      %sign3A_196 = arith.extui %sign3A_195 : i1 to i32
      %sign3A_197 = arith.constant 0 : i32
      %sign3A_198 = arith.cmpi slt, %jit3A_185, %sign3A_197 : i32
      %sign3A_199 = arith.extui %sign3A_198 : i1 to i32
      %sign3A_200 = arith.subi %sign3A_196, %sign3A_199 : i32
      %ne3A_201 = arith.cmpi ne, %sign3A_193, %sign3A_200 : i32
      %rem3A_202 = arith.remsi %while3A_180, %jit3A_185 : i32
      %ne3A_203 = arith.constant 0 : i32
      %ne3A_204 = arith.cmpi ne, %rem3A_202, %ne3A_203 : i32
      %and3A_205 = arith.andi %ne3A_201, %ne3A_204 : i1
      %sub3A_206 = arith.constant 1 : i32
      %sub3A_207 = arith.subi %div3A_186, %sub3A_206 : i32
      %select_n3A_208 = arith.select %and3A_205, %sub3A_207, %div3A_186 : i32
      %jit3A_209 = arith.constant 8 : i32
      %eq3A_210 = arith.constant 0 : i32
      %eq3A_211 = arith.cmpi eq, %jit3A_209, %eq3A_210 : i32
      %jit3A_212 = arith.constant 1 : i32
      %select_n3A_213 = arith.select %eq3A_211, %jit3A_212, %jit3A_209 : i32
      %rem3A_214 = arith.remsi %while3A_180, %select_n3A_213 : i32
      %ne3A_215 = arith.constant 0 : i32
      %ne3A_216 = arith.cmpi ne, %rem3A_214, %ne3A_215 : i32
      %lt3A = arith.constant 0 : i32
      %lt3A_217 = arith.cmpi slt, %rem3A_214, %lt3A : i32
      %lt3A_218 = arith.constant 0 : i32
      %lt3A_219 = arith.cmpi slt, %select_n3A_213, %lt3A_218 : i32
      %ne3A_220 = arith.xori %lt3A_217, %lt3A_219 : i1
      %and3A_221 = arith.andi %ne3A_220, %ne3A_216 : i1
      %add3A_222 = arith.addi %rem3A_214, %select_n3A_213 : i32
      %select_n3A_223 = arith.select %and3A_221, %add3A_222, %rem3A_214 : i32
      %eq3A_224 = arith.constant 7 : i32
      %eq3A_225 = arith.cmpi eq, %select_n3A_223, %eq3A_224 : i32
      %jit3A_226 = arith.constant 16 : i32
      %div3A_227 = arith.divsi %mul3A_182, %jit3A_226 : i32
      %sign3A_228 = arith.constant 0 : i32
      %sign3A_229 = arith.cmpi sgt, %mul3A_182, %sign3A_228 : i32
      %sign3A_230 = arith.extui %sign3A_229 : i1 to i32
      %sign3A_231 = arith.constant 0 : i32
      %sign3A_232 = arith.cmpi slt, %mul3A_182, %sign3A_231 : i32
      %sign3A_233 = arith.extui %sign3A_232 : i1 to i32
      %sign3A_234 = arith.subi %sign3A_230, %sign3A_233 : i32
      %sign3A_235 = arith.constant 0 : i32
      %sign3A_236 = arith.cmpi sgt, %jit3A_226, %sign3A_235 : i32
      %sign3A_237 = arith.extui %sign3A_236 : i1 to i32
      %sign3A_238 = arith.constant 0 : i32
      %sign3A_239 = arith.cmpi slt, %jit3A_226, %sign3A_238 : i32
      %sign3A_240 = arith.extui %sign3A_239 : i1 to i32
      %sign3A_241 = arith.subi %sign3A_237, %sign3A_240 : i32
      %ne3A_242 = arith.cmpi ne, %sign3A_234, %sign3A_241 : i32
      %rem3A_243 = arith.remsi %mul3A_182, %jit3A_226 : i32
      %ne3A_244 = arith.constant 0 : i32
      %ne3A_245 = arith.cmpi ne, %rem3A_243, %ne3A_244 : i32
      %and3A_246 = arith.andi %ne3A_242, %ne3A_245 : i1
      %sub3A_247 = arith.constant 1 : i32
      %sub3A_248 = arith.subi %div3A_227, %sub3A_247 : i32
      %select_n3A_249 = arith.select %and3A_246, %sub3A_248, %div3A_227 : i32
      %jit3A_250 = arith.constant 2 : i32
      %eq3A_251 = arith.constant 0 : i32
      %eq3A_252 = arith.cmpi eq, %jit3A_250, %eq3A_251 : i32
      %jit3A_253 = arith.constant 1 : i32
      %select_n3A_254 = arith.select %eq3A_252, %jit3A_253, %jit3A_250 : i32
      %rem3A_255 = arith.remsi %select_n3A_249, %select_n3A_254 : i32
      %ne3A_256 = arith.constant 0 : i32
      %ne3A_257 = arith.cmpi ne, %rem3A_255, %ne3A_256 : i32
      %lt3A_258 = arith.constant 0 : i32
      %lt3A_259 = arith.cmpi slt, %rem3A_255, %lt3A_258 : i32
      %lt3A_260 = arith.constant 0 : i32
      %lt3A_261 = arith.cmpi slt, %select_n3A_254, %lt3A_260 : i32
      %ne3A_262 = arith.xori %lt3A_259, %lt3A_261 : i1
      %and3A_263 = arith.andi %ne3A_262, %ne3A_257 : i1
      %add3A_264 = arith.addi %rem3A_255, %select_n3A_254 : i32
      %select_n3A_265 = arith.select %and3A_263, %add3A_264, %rem3A_255 : i32
      %jit3A_266 = arith.constant 16 : i32
      %eq3A_267 = arith.constant 0 : i32
      %eq3A_268 = arith.cmpi eq, %jit3A_266, %eq3A_267 : i32
      %jit3A_269 = arith.constant 1 : i32
      %select_n3A_270 = arith.select %eq3A_268, %jit3A_269, %jit3A_266 : i32
      %rem3A_271 = arith.remsi %mul3A_182, %select_n3A_270 : i32
      %ne3A_272 = arith.constant 0 : i32
      %ne3A_273 = arith.cmpi ne, %rem3A_271, %ne3A_272 : i32
      %lt3A_274 = arith.constant 0 : i32
      %lt3A_275 = arith.cmpi slt, %rem3A_271, %lt3A_274 : i32
      %lt3A_276 = arith.constant 0 : i32
      %lt3A_277 = arith.cmpi slt, %select_n3A_270, %lt3A_276 : i32
      %ne3A_278 = arith.xori %lt3A_275, %lt3A_277 : i1
      %and3A_279 = arith.andi %ne3A_278, %ne3A_273 : i1
      %add3A_280 = arith.addi %rem3A_271, %select_n3A_270 : i32
      %select_n3A_281 = arith.select %and3A_279, %add3A_280, %rem3A_271 : i32
      %dma_wait3A_282 = arith.constant 0 : i32
      %dma_wait3A_283 = tpu.memref_slice %arg7[%select_n3A_265, %select_n3A_281, %dma_wait3A_282] : memref<2x16x128xi32, #tpu.memory_space<vmem>> -> memref<1x1x128xi32, #tpu.memory_space<vmem>>
      %dma_wait3A_284 = tpu.memref_squeeze %dma_wait3A_283 : memref<1x1x128xi32, #tpu.memory_space<vmem>> -> memref<128xi32, #tpu.memory_space<vmem>>
      %dma_wait3A_285 = arith.constant 0 : i32
      %dma_wait3A_286 = arith.constant 0 : i32
      %dma_wait3A_287 = tpu.memref_slice %arg4[%dma_wait3A_285, %dma_wait3A_286] : memref<10240x128xf32, #tpu.memory_space<hbm>> -> memref<10240x128xf32, #tpu.memory_space<hbm>>
      tpu.wait_indirect_dma semaphore(%arg11 : memref<!tpu.dma_semaphore, #tpu.memory_space<semaphore_mem>>) src(%dma_wait3A_287 : memref<10240x128xf32, #tpu.memory_space<hbm>>) dst(%arg9 : memref<128x128xf32, #tpu.memory_space<vmem>>)
      %jit3A_288 = arith.constant 16 : i32
      %div3A_289 = arith.divsi %add3A_184, %jit3A_288 : i32
      %sign3A_290 = arith.constant 0 : i32
      %sign3A_291 = arith.cmpi sgt, %add3A_184, %sign3A_290 : i32
      %sign3A_292 = arith.extui %sign3A_291 : i1 to i32
      %sign3A_293 = arith.constant 0 : i32
      %sign3A_294 = arith.cmpi slt, %add3A_184, %sign3A_293 : i32
      %sign3A_295 = arith.extui %sign3A_294 : i1 to i32
      %sign3A_296 = arith.subi %sign3A_292, %sign3A_295 : i32
      %sign3A_297 = arith.constant 0 : i32
      %sign3A_298 = arith.cmpi sgt, %jit3A_288, %sign3A_297 : i32
      %sign3A_299 = arith.extui %sign3A_298 : i1 to i32
      %sign3A_300 = arith.constant 0 : i32
      %sign3A_301 = arith.cmpi slt, %jit3A_288, %sign3A_300 : i32
      %sign3A_302 = arith.extui %sign3A_301 : i1 to i32
      %sign3A_303 = arith.subi %sign3A_299, %sign3A_302 : i32
      %ne3A_304 = arith.cmpi ne, %sign3A_296, %sign3A_303 : i32
      %rem3A_305 = arith.remsi %add3A_184, %jit3A_288 : i32
      %ne3A_306 = arith.constant 0 : i32
      %ne3A_307 = arith.cmpi ne, %rem3A_305, %ne3A_306 : i32
      %and3A_308 = arith.andi %ne3A_304, %ne3A_307 : i1
      %sub3A_309 = arith.constant 1 : i32
      %sub3A_310 = arith.subi %div3A_289, %sub3A_309 : i32
      %select_n3A_311 = arith.select %and3A_308, %sub3A_310, %div3A_289 : i32
      %jit3A_312 = arith.constant 2 : i32
      %eq3A_313 = arith.constant 0 : i32
      %eq3A_314 = arith.cmpi eq, %jit3A_312, %eq3A_313 : i32
      %jit3A_315 = arith.constant 1 : i32
      %select_n3A_316 = arith.select %eq3A_314, %jit3A_315, %jit3A_312 : i32
      %rem3A_317 = arith.remsi %select_n3A_311, %select_n3A_316 : i32
      %ne3A_318 = arith.constant 0 : i32
      %ne3A_319 = arith.cmpi ne, %rem3A_317, %ne3A_318 : i32
      %lt3A_320 = arith.constant 0 : i32
      %lt3A_321 = arith.cmpi slt, %rem3A_317, %lt3A_320 : i32
      %lt3A_322 = arith.constant 0 : i32
      %lt3A_323 = arith.cmpi slt, %select_n3A_316, %lt3A_322 : i32
      %ne3A_324 = arith.xori %lt3A_321, %lt3A_323 : i1
      %and3A_325 = arith.andi %ne3A_324, %ne3A_319 : i1
      %add3A_326 = arith.addi %rem3A_317, %select_n3A_316 : i32
      %select_n3A_327 = arith.select %and3A_325, %add3A_326, %rem3A_317 : i32
      %jit3A_328 = arith.constant 16 : i32
      %eq3A_329 = arith.constant 0 : i32
      %eq3A_330 = arith.cmpi eq, %jit3A_328, %eq3A_329 : i32
      %jit3A_331 = arith.constant 1 : i32
      %select_n3A_332 = arith.select %eq3A_330, %jit3A_331, %jit3A_328 : i32
      %rem3A_333 = arith.remsi %add3A_184, %select_n3A_332 : i32
      %ne3A_334 = arith.constant 0 : i32
      %ne3A_335 = arith.cmpi ne, %rem3A_333, %ne3A_334 : i32
      %lt3A_336 = arith.constant 0 : i32
      %lt3A_337 = arith.cmpi slt, %rem3A_333, %lt3A_336 : i32
      %lt3A_338 = arith.constant 0 : i32
      %lt3A_339 = arith.cmpi slt, %select_n3A_332, %lt3A_338 : i32
      %ne3A_340 = arith.xori %lt3A_337, %lt3A_339 : i1
      %and3A_341 = arith.andi %ne3A_340, %ne3A_335 : i1
      %add3A_342 = arith.addi %rem3A_333, %select_n3A_332 : i32
      %select_n3A_343 = arith.select %and3A_341, %add3A_342, %rem3A_333 : i32
      %dma_start3A_344 = arith.constant 0 : i32
      %dma_start3A_345 = tpu.memref_slice %arg7[%select_n3A_327, %select_n3A_343, %dma_start3A_344] : memref<2x16x128xi32, #tpu.memory_space<vmem>> -> memref<1x1x128xi32, #tpu.memory_space<vmem>>
      %dma_start3A_346 = tpu.memref_squeeze %dma_start3A_345 : memref<1x1x128xi32, #tpu.memory_space<vmem>> -> memref<128xi32, #tpu.memory_space<vmem>>
      %dma_start3A_347 = arith.constant 0 : i32
      %dma_start3A_348 = arith.constant 0 : i32
      %dma_start3A_349 = tpu.memref_slice %arg4[%dma_start3A_347, %dma_start3A_348] : memref<10240x128xf32, #tpu.memory_space<hbm>> -> memref<10240x128xf32, #tpu.memory_space<hbm>>
      tpu.enqueue_indirect_dma source(%dma_start3A_349 : memref<10240x128xf32, #tpu.memory_space<hbm>>) target(%arg10 : memref<128x128xf32, #tpu.memory_space<vmem>>) offsets(%dma_start3A_346 : memref<128xi32, #tpu.memory_space<vmem>>) semaphore(%arg12 : memref<!tpu.dma_semaphore, #tpu.memory_space<semaphore_mem>>)
      %jit3A_350 = arith.constant 16 : i32
      %div3A_351 = arith.divsi %mul3A_182, %jit3A_350 : i32
      %sign3A_352 = arith.constant 0 : i32
      %sign3A_353 = arith.cmpi sgt, %mul3A_182, %sign3A_352 : i32
      %sign3A_354 = arith.extui %sign3A_353 : i1 to i32
      %sign3A_355 = arith.constant 0 : i32
      %sign3A_356 = arith.cmpi slt, %mul3A_182, %sign3A_355 : i32
      %sign3A_357 = arith.extui %sign3A_356 : i1 to i32
      %sign3A_358 = arith.subi %sign3A_354, %sign3A_357 : i32
      %sign3A_359 = arith.constant 0 : i32
      %sign3A_360 = arith.cmpi sgt, %jit3A_350, %sign3A_359 : i32
      %sign3A_361 = arith.extui %sign3A_360 : i1 to i32
      %sign3A_362 = arith.constant 0 : i32
      %sign3A_363 = arith.cmpi slt, %jit3A_350, %sign3A_362 : i32
      %sign3A_364 = arith.extui %sign3A_363 : i1 to i32
      %sign3A_365 = arith.subi %sign3A_361, %sign3A_364 : i32
      %ne3A_366 = arith.cmpi ne, %sign3A_358, %sign3A_365 : i32
      %rem3A_367 = arith.remsi %mul3A_182, %jit3A_350 : i32
      %ne3A_368 = arith.constant 0 : i32
      %ne3A_369 = arith.cmpi ne, %rem3A_367, %ne3A_368 : i32
      %and3A_370 = arith.andi %ne3A_366, %ne3A_369 : i1
      %sub3A_371 = arith.constant 1 : i32
      %sub3A_372 = arith.subi %div3A_351, %sub3A_371 : i32
      %select_n3A_373 = arith.select %and3A_370, %sub3A_372, %div3A_351 : i32
      %jit3A_374 = arith.constant 2 : i32
      %eq3A_375 = arith.constant 0 : i32
      %eq3A_376 = arith.cmpi eq, %jit3A_374, %eq3A_375 : i32
      %jit3A_377 = arith.constant 1 : i32
      %select_n3A_378 = arith.select %eq3A_376, %jit3A_377, %jit3A_374 : i32
      %rem3A_379 = arith.remsi %select_n3A_373, %select_n3A_378 : i32
      %ne3A_380 = arith.constant 0 : i32
      %ne3A_381 = arith.cmpi ne, %rem3A_379, %ne3A_380 : i32
      %lt3A_382 = arith.constant 0 : i32
      %lt3A_383 = arith.cmpi slt, %rem3A_379, %lt3A_382 : i32
      %lt3A_384 = arith.constant 0 : i32
      %lt3A_385 = arith.cmpi slt, %select_n3A_378, %lt3A_384 : i32
      %ne3A_386 = arith.xori %lt3A_383, %lt3A_385 : i1
      %and3A_387 = arith.andi %ne3A_386, %ne3A_381 : i1
      %add3A_388 = arith.addi %rem3A_379, %select_n3A_378 : i32
      %select_n3A_389 = arith.select %and3A_387, %add3A_388, %rem3A_379 : i32
      %jit3A_390 = arith.constant 16 : i32
      %eq3A_391 = arith.constant 0 : i32
      %eq3A_392 = arith.cmpi eq, %jit3A_390, %eq3A_391 : i32
      %jit3A_393 = arith.constant 1 : i32
      %select_n3A_394 = arith.select %eq3A_392, %jit3A_393, %jit3A_390 : i32
      %rem3A_395 = arith.remsi %mul3A_182, %select_n3A_394 : i32
      %ne3A_396 = arith.constant 0 : i32
      %ne3A_397 = arith.cmpi ne, %rem3A_395, %ne3A_396 : i32
      %lt3A_398 = arith.constant 0 : i32
      %lt3A_399 = arith.cmpi slt, %rem3A_395, %lt3A_398 : i32
      %lt3A_400 = arith.constant 0 : i32
      %lt3A_401 = arith.cmpi slt, %select_n3A_394, %lt3A_400 : i32
      %ne3A_402 = arith.xori %lt3A_399, %lt3A_401 : i1
      %and3A_403 = arith.andi %ne3A_402, %ne3A_397 : i1
      %add3A_404 = arith.addi %rem3A_395, %select_n3A_394 : i32
      %select_n3A_405 = arith.select %and3A_403, %add3A_404, %rem3A_395 : i32
      "tpu.region"() ({
        %run_scoped3A_544 = tpu.sem_alloc : memref<!tpu.dma_semaphore, #tpu.memory_space<semaphore_mem>>
        %dma_start3A_545 = arith.constant 0 : i32
        %dma_start3A_546 = tpu.memref_slice %arg8[%select_n3A_389, %select_n3A_405, %dma_start3A_545] : memref<2x16x128xi32, #tpu.memory_space<vmem>> -> memref<1x1x128xi32, #tpu.memory_space<vmem>>
        %dma_start3A_547 = tpu.memref_squeeze %dma_start3A_546 : memref<1x1x128xi32, #tpu.memory_space<vmem>> -> memref<128xi32, #tpu.memory_space<vmem>>
        %dma_start3A_548 = arith.constant 0 : i32
        %dma_start3A_549 = arith.constant 0 : i32
        %dma_start3A_550 = tpu.memref_slice %arg15[%dma_start3A_548, %dma_start3A_549] : memref<10240x128xf32, #tpu.memory_space<vmem_shared>> -> memref<10240x128xf32, #tpu.memory_space<vmem_shared>>
        tpu.enqueue_indirect_dma source(%arg9 : memref<128x128xf32, #tpu.memory_space<vmem>>) target(%dma_start3A_550 : memref<10240x128xf32, #tpu.memory_space<vmem_shared>>) offsets(%dma_start3A_547 : memref<128xi32, #tpu.memory_space<vmem>>) semaphore(%run_scoped3A_544 : memref<!tpu.dma_semaphore, #tpu.memory_space<semaphore_mem>>) {add = true}
        %dma_wait3A_551 = arith.constant 0 : i32
        %dma_wait3A_552 = tpu.memref_slice %arg8[%select_n3A_389, %select_n3A_405, %dma_wait3A_551] : memref<2x16x128xi32, #tpu.memory_space<vmem>> -> memref<1x1x128xi32, #tpu.memory_space<vmem>>
        %dma_wait3A_553 = tpu.memref_squeeze %dma_wait3A_552 : memref<1x1x128xi32, #tpu.memory_space<vmem>> -> memref<128xi32, #tpu.memory_space<vmem>>
        %dma_wait3A_554 = arith.constant 0 : i32
        %dma_wait3A_555 = arith.constant 0 : i32
        %dma_wait3A_556 = tpu.memref_slice %arg15[%dma_wait3A_554, %dma_wait3A_555] : memref<10240x128xf32, #tpu.memory_space<vmem_shared>> -> memref<10240x128xf32, #tpu.memory_space<vmem_shared>>
        tpu.wait_indirect_dma semaphore(%run_scoped3A_544 : memref<!tpu.dma_semaphore, #tpu.memory_space<semaphore_mem>>) src(%arg9 : memref<128x128xf32, #tpu.memory_space<vmem>>) dst(%dma_wait3A_556 : memref<10240x128xf32, #tpu.memory_space<vmem_shared>>)
        tpu.yield
      }) : () -> ()
      %sub3A_406 = arith.constant 1 : i32
      %sub3A_407 = arith.subi %select_n3A_19, %sub3A_406 : i32
      %lt3A_408 = arith.cmpi slt, %select_n3A_208, %sub3A_407 : i32
      %and3A_409 = arith.andi %eq3A_225, %lt3A_408 : i1
      %convert_element_type3A_410 = arith.extui %and3A_409 : i1 to i32
      %cond3A_411 = arith.constant 0 : i32
      %cond3A_412 = arith.cmpi ne, %convert_element_type3A_410, %cond3A_411 : i32
      scf.if %cond3A_412 {
        %dma_wait3A_544 = arith.constant 0 : i32
        %dma_wait3A_545 = arith.constant 0 : i32
        %dma_wait3A_546 = arith.constant 0 : i32
        %dma_wait3A_547 = tpu.memref_slice %arg7[%dma_wait3A_544, %dma_wait3A_545, %dma_wait3A_546] : memref<2x16x128xi32, #tpu.memory_space<vmem>> -> memref<1x16x128xi32, #tpu.memory_space<vmem>>
        %dma_wait3A_548 = tpu.memref_squeeze %dma_wait3A_547 : memref<1x16x128xi32, #tpu.memory_space<vmem>> -> memref<16x128xi32, #tpu.memory_space<vmem>>
        %dma_wait3A_549 = arith.constant 0 : i32
        %dma_wait3A_550 = arith.constant 0 : i32
        %dma_wait3A_551 = tpu.memref_slice %arg2[%dma_wait3A_549, %dma_wait3A_550] : memref<2560x128xi32, #tpu.memory_space<hbm>> -> memref<16x128xi32, #tpu.memory_space<hbm>>
        %dma_wait3A_552 = arith.constant 0 : i32
        %dma_wait3A_553 = arith.constant 0 : i32
        %dma_wait3A_554 = tpu.memref_slice %arg7[%dma_wait3A_544, %dma_wait3A_552, %dma_wait3A_553] : memref<2x16x128xi32, #tpu.memory_space<vmem>> -> memref<1x16x128xi32, #tpu.memory_space<vmem>>
        %dma_wait3A_555 = tpu.memref_squeeze %dma_wait3A_554 : memref<1x16x128xi32, #tpu.memory_space<vmem>> -> memref<16x128xi32, #tpu.memory_space<vmem>>
        %dma_wait3A_556 = arith.constant 0 : i32
        %dma_wait3A_557 = arith.constant 0 : i32
        %dma_wait3A_558 = tpu.memref_slice %arg2[%dma_wait3A_556, %dma_wait3A_557] : memref<2560x128xi32, #tpu.memory_space<hbm>> -> memref<16x128xi32, #tpu.memory_space<hbm>>
        tpu.wait_dma2 semaphore(%arg13 : memref<!tpu.dma_semaphore, #tpu.memory_space<semaphore_mem>>) src(%dma_wait3A_558 : memref<16x128xi32, #tpu.memory_space<hbm>>) dst(%dma_wait3A_555 : memref<16x128xi32, #tpu.memory_space<vmem>>)
        %dma_wait3A_559 = arith.constant 0 : i32
        %dma_wait3A_560 = arith.constant 0 : i32
        %dma_wait3A_561 = arith.constant 0 : i32
        %dma_wait3A_562 = tpu.memref_slice %arg7[%dma_wait3A_559, %dma_wait3A_560, %dma_wait3A_561] : memref<2x16x128xi32, #tpu.memory_space<vmem>> -> memref<1x16x128xi32, #tpu.memory_space<vmem>>
        %dma_wait3A_563 = tpu.memref_squeeze %dma_wait3A_562 : memref<1x16x128xi32, #tpu.memory_space<vmem>> -> memref<16x128xi32, #tpu.memory_space<vmem>>
        %dma_wait3A_564 = arith.constant 0 : i32
        %dma_wait3A_565 = arith.constant 0 : i32
        %dma_wait3A_566 = tpu.memref_slice %arg2[%dma_wait3A_564, %dma_wait3A_565] : memref<2560x128xi32, #tpu.memory_space<hbm>> -> memref<16x128xi32, #tpu.memory_space<hbm>>
        %dma_wait3A_567 = arith.constant 0 : i32
        %dma_wait3A_568 = arith.constant 0 : i32
        %dma_wait3A_569 = tpu.memref_slice %arg7[%dma_wait3A_559, %dma_wait3A_567, %dma_wait3A_568] : memref<2x16x128xi32, #tpu.memory_space<vmem>> -> memref<1x16x128xi32, #tpu.memory_space<vmem>>
        %dma_wait3A_570 = tpu.memref_squeeze %dma_wait3A_569 : memref<1x16x128xi32, #tpu.memory_space<vmem>> -> memref<16x128xi32, #tpu.memory_space<vmem>>
        %dma_wait3A_571 = arith.constant 0 : i32
        %dma_wait3A_572 = arith.constant 0 : i32
        %dma_wait3A_573 = tpu.memref_slice %arg2[%dma_wait3A_571, %dma_wait3A_572] : memref<2560x128xi32, #tpu.memory_space<hbm>> -> memref<16x128xi32, #tpu.memory_space<hbm>>
        tpu.wait_dma2 semaphore(%arg13 : memref<!tpu.dma_semaphore, #tpu.memory_space<semaphore_mem>>) src(%dma_wait3A_573 : memref<16x128xi32, #tpu.memory_space<hbm>>) dst(%dma_wait3A_570 : memref<16x128xi32, #tpu.memory_space<vmem>>)
      } else {
      }
      %jit3A_413 = arith.constant 16 : i32
      %div3A_414 = arith.divsi %add3A_184, %jit3A_413 : i32
      %sign3A_415 = arith.constant 0 : i32
      %sign3A_416 = arith.cmpi sgt, %add3A_184, %sign3A_415 : i32
      %sign3A_417 = arith.extui %sign3A_416 : i1 to i32
      %sign3A_418 = arith.constant 0 : i32
      %sign3A_419 = arith.cmpi slt, %add3A_184, %sign3A_418 : i32
      %sign3A_420 = arith.extui %sign3A_419 : i1 to i32
      %sign3A_421 = arith.subi %sign3A_417, %sign3A_420 : i32
      %sign3A_422 = arith.constant 0 : i32
      %sign3A_423 = arith.cmpi sgt, %jit3A_413, %sign3A_422 : i32
      %sign3A_424 = arith.extui %sign3A_423 : i1 to i32
      %sign3A_425 = arith.constant 0 : i32
      %sign3A_426 = arith.cmpi slt, %jit3A_413, %sign3A_425 : i32
      %sign3A_427 = arith.extui %sign3A_426 : i1 to i32
      %sign3A_428 = arith.subi %sign3A_424, %sign3A_427 : i32
      %ne3A_429 = arith.cmpi ne, %sign3A_421, %sign3A_428 : i32
      %rem3A_430 = arith.remsi %add3A_184, %jit3A_413 : i32
      %ne3A_431 = arith.constant 0 : i32
      %ne3A_432 = arith.cmpi ne, %rem3A_430, %ne3A_431 : i32
      %and3A_433 = arith.andi %ne3A_429, %ne3A_432 : i1
      %sub3A_434 = arith.constant 1 : i32
      %sub3A_435 = arith.subi %div3A_414, %sub3A_434 : i32
      %select_n3A_436 = arith.select %and3A_433, %sub3A_435, %div3A_414 : i32
      %jit3A_437 = arith.constant 2 : i32
      %eq3A_438 = arith.constant 0 : i32
      %eq3A_439 = arith.cmpi eq, %jit3A_437, %eq3A_438 : i32
      %jit3A_440 = arith.constant 1 : i32
      %select_n3A_441 = arith.select %eq3A_439, %jit3A_440, %jit3A_437 : i32
      %rem3A_442 = arith.remsi %select_n3A_436, %select_n3A_441 : i32
      %ne3A_443 = arith.constant 0 : i32
      %ne3A_444 = arith.cmpi ne, %rem3A_442, %ne3A_443 : i32
      %lt3A_445 = arith.constant 0 : i32
      %lt3A_446 = arith.cmpi slt, %rem3A_442, %lt3A_445 : i32
      %lt3A_447 = arith.constant 0 : i32
      %lt3A_448 = arith.cmpi slt, %select_n3A_441, %lt3A_447 : i32
      %ne3A_449 = arith.xori %lt3A_446, %lt3A_448 : i1
      %and3A_450 = arith.andi %ne3A_449, %ne3A_444 : i1
      %add3A_451 = arith.addi %rem3A_442, %select_n3A_441 : i32
      %select_n3A_452 = arith.select %and3A_450, %add3A_451, %rem3A_442 : i32
      %jit3A_453 = arith.constant 16 : i32
      %eq3A_454 = arith.constant 0 : i32
      %eq3A_455 = arith.cmpi eq, %jit3A_453, %eq3A_454 : i32
      %jit3A_456 = arith.constant 1 : i32
      %select_n3A_457 = arith.select %eq3A_455, %jit3A_456, %jit3A_453 : i32
      %rem3A_458 = arith.remsi %add3A_184, %select_n3A_457 : i32
      %ne3A_459 = arith.constant 0 : i32
      %ne3A_460 = arith.cmpi ne, %rem3A_458, %ne3A_459 : i32
      %lt3A_461 = arith.constant 0 : i32
      %lt3A_462 = arith.cmpi slt, %rem3A_458, %lt3A_461 : i32
      %lt3A_463 = arith.constant 0 : i32
      %lt3A_464 = arith.cmpi slt, %select_n3A_457, %lt3A_463 : i32
      %ne3A_465 = arith.xori %lt3A_462, %lt3A_464 : i1
      %and3A_466 = arith.andi %ne3A_465, %ne3A_460 : i1
      %add3A_467 = arith.addi %rem3A_458, %select_n3A_457 : i32
      %select_n3A_468 = arith.select %and3A_466, %add3A_467, %rem3A_458 : i32
      %dma_wait3A_469 = arith.constant 0 : i32
      %dma_wait3A_470 = tpu.memref_slice %arg7[%select_n3A_452, %select_n3A_468, %dma_wait3A_469] : memref<2x16x128xi32, #tpu.memory_space<vmem>> -> memref<1x1x128xi32, #tpu.memory_space<vmem>>
      %dma_wait3A_471 = tpu.memref_squeeze %dma_wait3A_470 : memref<1x1x128xi32, #tpu.memory_space<vmem>> -> memref<128xi32, #tpu.memory_space<vmem>>
      %dma_wait3A_472 = arith.constant 0 : i32
      %dma_wait3A_473 = arith.constant 0 : i32
      %dma_wait3A_474 = tpu.memref_slice %arg4[%dma_wait3A_472, %dma_wait3A_473] : memref<10240x128xf32, #tpu.memory_space<hbm>> -> memref<10240x128xf32, #tpu.memory_space<hbm>>
      tpu.wait_indirect_dma semaphore(%arg12 : memref<!tpu.dma_semaphore, #tpu.memory_space<semaphore_mem>>) src(%dma_wait3A_474 : memref<10240x128xf32, #tpu.memory_space<hbm>>) dst(%arg10 : memref<128x128xf32, #tpu.memory_space<vmem>>)
      %add3A_475 = arith.constant 2 : i32
      %add3A_476 = arith.addi %mul3A_182, %add3A_475 : i32
      %lt3A_477 = arith.cmpi slt, %add3A_476, %select_n3A : i32
      %convert_element_type3A_478 = arith.extui %lt3A_477 : i1 to i32
      %cond3A_479 = arith.constant 0 : i32
      %cond3A_480 = arith.cmpi ne, %convert_element_type3A_478, %cond3A_479 : i32
      scf.if %cond3A_480 {
        %add3A_544 = arith.constant 2 : i32
        %add3A_545 = arith.addi %mul3A_182, %add3A_544 : i32
        %jit3A_546 = arith.constant 16 : i32
        %div3A_547 = arith.divsi %add3A_545, %jit3A_546 : i32
        %sign3A_548 = arith.constant 0 : i32
        %sign3A_549 = arith.cmpi sgt, %add3A_545, %sign3A_548 : i32
        %sign3A_550 = arith.extui %sign3A_549 : i1 to i32
        %sign3A_551 = arith.constant 0 : i32
        %sign3A_552 = arith.cmpi slt, %add3A_545, %sign3A_551 : i32
        %sign3A_553 = arith.extui %sign3A_552 : i1 to i32
        %sign3A_554 = arith.subi %sign3A_550, %sign3A_553 : i32
        %sign3A_555 = arith.constant 0 : i32
        %sign3A_556 = arith.cmpi sgt, %jit3A_546, %sign3A_555 : i32
        %sign3A_557 = arith.extui %sign3A_556 : i1 to i32
        %sign3A_558 = arith.constant 0 : i32
        %sign3A_559 = arith.cmpi slt, %jit3A_546, %sign3A_558 : i32
        %sign3A_560 = arith.extui %sign3A_559 : i1 to i32
        %sign3A_561 = arith.subi %sign3A_557, %sign3A_560 : i32
        %ne3A_562 = arith.cmpi ne, %sign3A_554, %sign3A_561 : i32
        %rem3A_563 = arith.remsi %add3A_545, %jit3A_546 : i32
        %ne3A_564 = arith.constant 0 : i32
        %ne3A_565 = arith.cmpi ne, %rem3A_563, %ne3A_564 : i32
        %and3A_566 = arith.andi %ne3A_562, %ne3A_565 : i1
        %sub3A_567 = arith.constant 1 : i32
        %sub3A_568 = arith.subi %div3A_547, %sub3A_567 : i32
        %select_n3A_569 = arith.select %and3A_566, %sub3A_568, %div3A_547 : i32
        %jit3A_570 = arith.constant 2 : i32
        %eq3A_571 = arith.constant 0 : i32
        %eq3A_572 = arith.cmpi eq, %jit3A_570, %eq3A_571 : i32
        %jit3A_573 = arith.constant 1 : i32
        %select_n3A_574 = arith.select %eq3A_572, %jit3A_573, %jit3A_570 : i32
        %rem3A_575 = arith.remsi %select_n3A_569, %select_n3A_574 : i32
        %ne3A_576 = arith.constant 0 : i32
        %ne3A_577 = arith.cmpi ne, %rem3A_575, %ne3A_576 : i32
        %lt3A_578 = arith.constant 0 : i32
        %lt3A_579 = arith.cmpi slt, %rem3A_575, %lt3A_578 : i32
        %lt3A_580 = arith.constant 0 : i32
        %lt3A_581 = arith.cmpi slt, %select_n3A_574, %lt3A_580 : i32
        %ne3A_582 = arith.xori %lt3A_579, %lt3A_581 : i1
        %and3A_583 = arith.andi %ne3A_582, %ne3A_577 : i1
        %add3A_584 = arith.addi %rem3A_575, %select_n3A_574 : i32
        %select_n3A_585 = arith.select %and3A_583, %add3A_584, %rem3A_575 : i32
        %jit3A_586 = arith.constant 16 : i32
        %eq3A_587 = arith.constant 0 : i32
        %eq3A_588 = arith.cmpi eq, %jit3A_586, %eq3A_587 : i32
        %jit3A_589 = arith.constant 1 : i32
        %select_n3A_590 = arith.select %eq3A_588, %jit3A_589, %jit3A_586 : i32
        %rem3A_591 = arith.remsi %add3A_545, %select_n3A_590 : i32
        %ne3A_592 = arith.constant 0 : i32
        %ne3A_593 = arith.cmpi ne, %rem3A_591, %ne3A_592 : i32
        %lt3A_594 = arith.constant 0 : i32
        %lt3A_595 = arith.cmpi slt, %rem3A_591, %lt3A_594 : i32
        %lt3A_596 = arith.constant 0 : i32
        %lt3A_597 = arith.cmpi slt, %select_n3A_590, %lt3A_596 : i32
        %ne3A_598 = arith.xori %lt3A_595, %lt3A_597 : i1
        %and3A_599 = arith.andi %ne3A_598, %ne3A_593 : i1
        %add3A_600 = arith.addi %rem3A_591, %select_n3A_590 : i32
        %select_n3A_601 = arith.select %and3A_599, %add3A_600, %rem3A_591 : i32
        %dma_start3A_602 = arith.constant 0 : i32
        %dma_start3A_603 = tpu.memref_slice %arg7[%select_n3A_585, %select_n3A_601, %dma_start3A_602] : memref<2x16x128xi32, #tpu.memory_space<vmem>> -> memref<1x1x128xi32, #tpu.memory_space<vmem>>
        %dma_start3A_604 = tpu.memref_squeeze %dma_start3A_603 : memref<1x1x128xi32, #tpu.memory_space<vmem>> -> memref<128xi32, #tpu.memory_space<vmem>>
        %dma_start3A_605 = arith.constant 0 : i32
        %dma_start3A_606 = arith.constant 0 : i32
        %dma_start3A_607 = tpu.memref_slice %arg4[%dma_start3A_605, %dma_start3A_606] : memref<10240x128xf32, #tpu.memory_space<hbm>> -> memref<10240x128xf32, #tpu.memory_space<hbm>>
        tpu.enqueue_indirect_dma source(%dma_start3A_607 : memref<10240x128xf32, #tpu.memory_space<hbm>>) target(%arg9 : memref<128x128xf32, #tpu.memory_space<vmem>>) offsets(%dma_start3A_604 : memref<128xi32, #tpu.memory_space<vmem>>) semaphore(%arg11 : memref<!tpu.dma_semaphore, #tpu.memory_space<semaphore_mem>>)
      } else {
      }
      %jit3A_481 = arith.constant 16 : i32
      %div3A_482 = arith.divsi %add3A_184, %jit3A_481 : i32
      %sign3A_483 = arith.constant 0 : i32
      %sign3A_484 = arith.cmpi sgt, %add3A_184, %sign3A_483 : i32
      %sign3A_485 = arith.extui %sign3A_484 : i1 to i32
      %sign3A_486 = arith.constant 0 : i32
      %sign3A_487 = arith.cmpi slt, %add3A_184, %sign3A_486 : i32
      %sign3A_488 = arith.extui %sign3A_487 : i1 to i32
      %sign3A_489 = arith.subi %sign3A_485, %sign3A_488 : i32
      %sign3A_490 = arith.constant 0 : i32
      %sign3A_491 = arith.cmpi sgt, %jit3A_481, %sign3A_490 : i32
      %sign3A_492 = arith.extui %sign3A_491 : i1 to i32
      %sign3A_493 = arith.constant 0 : i32
      %sign3A_494 = arith.cmpi slt, %jit3A_481, %sign3A_493 : i32
      %sign3A_495 = arith.extui %sign3A_494 : i1 to i32
      %sign3A_496 = arith.subi %sign3A_492, %sign3A_495 : i32
      %ne3A_497 = arith.cmpi ne, %sign3A_489, %sign3A_496 : i32
      %rem3A_498 = arith.remsi %add3A_184, %jit3A_481 : i32
      %ne3A_499 = arith.constant 0 : i32
      %ne3A_500 = arith.cmpi ne, %rem3A_498, %ne3A_499 : i32
      %and3A_501 = arith.andi %ne3A_497, %ne3A_500 : i1
      %sub3A_502 = arith.constant 1 : i32
      %sub3A_503 = arith.subi %div3A_482, %sub3A_502 : i32
      %select_n3A_504 = arith.select %and3A_501, %sub3A_503, %div3A_482 : i32
      %jit3A_505 = arith.constant 2 : i32
      %eq3A_506 = arith.constant 0 : i32
      %eq3A_507 = arith.cmpi eq, %jit3A_505, %eq3A_506 : i32
      %jit3A_508 = arith.constant 1 : i32
      %select_n3A_509 = arith.select %eq3A_507, %jit3A_508, %jit3A_505 : i32
      %rem3A_510 = arith.remsi %select_n3A_504, %select_n3A_509 : i32
      %ne3A_511 = arith.constant 0 : i32
      %ne3A_512 = arith.cmpi ne, %rem3A_510, %ne3A_511 : i32
      %lt3A_513 = arith.constant 0 : i32
      %lt3A_514 = arith.cmpi slt, %rem3A_510, %lt3A_513 : i32
      %lt3A_515 = arith.constant 0 : i32
      %lt3A_516 = arith.cmpi slt, %select_n3A_509, %lt3A_515 : i32
      %ne3A_517 = arith.xori %lt3A_514, %lt3A_516 : i1
      %and3A_518 = arith.andi %ne3A_517, %ne3A_512 : i1
      %add3A_519 = arith.addi %rem3A_510, %select_n3A_509 : i32
      %select_n3A_520 = arith.select %and3A_518, %add3A_519, %rem3A_510 : i32
      %jit3A_521 = arith.constant 16 : i32
      %eq3A_522 = arith.constant 0 : i32
      %eq3A_523 = arith.cmpi eq, %jit3A_521, %eq3A_522 : i32
      %jit3A_524 = arith.constant 1 : i32
      %select_n3A_525 = arith.select %eq3A_523, %jit3A_524, %jit3A_521 : i32
      %rem3A_526 = arith.remsi %add3A_184, %select_n3A_525 : i32
      %ne3A_527 = arith.constant 0 : i32
      %ne3A_528 = arith.cmpi ne, %rem3A_526, %ne3A_527 : i32
      %lt3A_529 = arith.constant 0 : i32
      %lt3A_530 = arith.cmpi slt, %rem3A_526, %lt3A_529 : i32
      %lt3A_531 = arith.constant 0 : i32
      %lt3A_532 = arith.cmpi slt, %select_n3A_525, %lt3A_531 : i32
      %ne3A_533 = arith.xori %lt3A_530, %lt3A_532 : i1
      %and3A_534 = arith.andi %ne3A_533, %ne3A_528 : i1
      %add3A_535 = arith.addi %rem3A_526, %select_n3A_525 : i32
      %select_n3A_536 = arith.select %and3A_534, %add3A_535, %rem3A_526 : i32
      "tpu.region"() ({
        %run_scoped3A_544 = tpu.sem_alloc : memref<!tpu.dma_semaphore, #tpu.memory_space<semaphore_mem>>
        %dma_start3A_545 = arith.constant 0 : i32
        %dma_start3A_546 = tpu.memref_slice %arg8[%select_n3A_520, %select_n3A_536, %dma_start3A_545] : memref<2x16x128xi32, #tpu.memory_space<vmem>> -> memref<1x1x128xi32, #tpu.memory_space<vmem>>
        %dma_start3A_547 = tpu.memref_squeeze %dma_start3A_546 : memref<1x1x128xi32, #tpu.memory_space<vmem>> -> memref<128xi32, #tpu.memory_space<vmem>>
        %dma_start3A_548 = arith.constant 0 : i32
        %dma_start3A_549 = arith.constant 0 : i32
        %dma_start3A_550 = tpu.memref_slice %arg15[%dma_start3A_548, %dma_start3A_549] : memref<10240x128xf32, #tpu.memory_space<vmem_shared>> -> memref<10240x128xf32, #tpu.memory_space<vmem_shared>>
        tpu.enqueue_indirect_dma source(%arg10 : memref<128x128xf32, #tpu.memory_space<vmem>>) target(%dma_start3A_550 : memref<10240x128xf32, #tpu.memory_space<vmem_shared>>) offsets(%dma_start3A_547 : memref<128xi32, #tpu.memory_space<vmem>>) semaphore(%run_scoped3A_544 : memref<!tpu.dma_semaphore, #tpu.memory_space<semaphore_mem>>) {add = true}
        %dma_wait3A_551 = arith.constant 0 : i32
        %dma_wait3A_552 = tpu.memref_slice %arg8[%select_n3A_520, %select_n3A_536, %dma_wait3A_551] : memref<2x16x128xi32, #tpu.memory_space<vmem>> -> memref<1x1x128xi32, #tpu.memory_space<vmem>>
        %dma_wait3A_553 = tpu.memref_squeeze %dma_wait3A_552 : memref<1x1x128xi32, #tpu.memory_space<vmem>> -> memref<128xi32, #tpu.memory_space<vmem>>
        %dma_wait3A_554 = arith.constant 0 : i32
        %dma_wait3A_555 = arith.constant 0 : i32
        %dma_wait3A_556 = tpu.memref_slice %arg15[%dma_wait3A_554, %dma_wait3A_555] : memref<10240x128xf32, #tpu.memory_space<vmem_shared>> -> memref<10240x128xf32, #tpu.memory_space<vmem_shared>>
        tpu.wait_indirect_dma semaphore(%run_scoped3A_544 : memref<!tpu.dma_semaphore, #tpu.memory_space<semaphore_mem>>) src(%arg10 : memref<128x128xf32, #tpu.memory_space<vmem>>) dst(%dma_wait3A_556 : memref<10240x128xf32, #tpu.memory_space<vmem_shared>>)
        tpu.yield
      }) : () -> ()
      %sub3A_537 = arith.constant 2 : i32
      %sub3A_538 = arith.subi %select_n3A_19, %sub3A_537 : i32
      %lt3A_539 = arith.cmpi slt, %select_n3A_208, %sub3A_538 : i32
      %and3A_540 = arith.andi %eq3A_225, %lt3A_539 : i1
      %convert_element_type3A_541 = arith.extui %and3A_540 : i1 to i32
      %cond3A_542 = arith.constant 0 : i32
      %cond3A_543 = arith.cmpi ne, %convert_element_type3A_541, %cond3A_542 : i32
      scf.if %cond3A_543 {
        %add3A_544 = arith.constant 2 : i32
        %add3A_545 = arith.addi %select_n3A_208, %add3A_544 : i32
        %mul3A_546 = arith.constant 16 : i32
        %mul3A_547 = arith.muli %add3A_545, %mul3A_546 : i32
        %add3A_548 = arith.addi %multiple_of3A, %mul3A_547 : i32
        %multiple_of3A_549 = tpu.assume_multiple %add3A_548, 8 : i32
        %jit3A_550 = arith.constant 2 : i32
        %eq3A_551 = arith.constant 0 : i32
        %eq3A_552 = arith.cmpi eq, %jit3A_550, %eq3A_551 : i32
        %jit3A_553 = arith.constant 1 : i32
        %select_n3A_554 = arith.select %eq3A_552, %jit3A_553, %jit3A_550 : i32
        %rem3A_555 = arith.remsi %select_n3A_208, %select_n3A_554 : i32
        %ne3A_556 = arith.constant 0 : i32
        %ne3A_557 = arith.cmpi ne, %rem3A_555, %ne3A_556 : i32
        %lt3A_558 = arith.constant 0 : i32
        %lt3A_559 = arith.cmpi slt, %rem3A_555, %lt3A_558 : i32
        %lt3A_560 = arith.constant 0 : i32
        %lt3A_561 = arith.cmpi slt, %select_n3A_554, %lt3A_560 : i32
        %ne3A_562 = arith.xori %lt3A_559, %lt3A_561 : i1
        %and3A_563 = arith.andi %ne3A_562, %ne3A_557 : i1
        %add3A_564 = arith.addi %rem3A_555, %select_n3A_554 : i32
        %select_n3A_565 = arith.select %and3A_563, %add3A_564, %rem3A_555 : i32
        %dma_start3A_566 = arith.constant 0 : i32
        %dma_start3A_567 = arith.constant 0 : i32
        %dma_start3A_568 = tpu.memref_slice %arg7[%select_n3A_565, %dma_start3A_566, %dma_start3A_567] : memref<2x16x128xi32, #tpu.memory_space<vmem>> -> memref<1x16x128xi32, #tpu.memory_space<vmem>>
        %dma_start3A_569 = tpu.memref_squeeze %dma_start3A_568 : memref<1x16x128xi32, #tpu.memory_space<vmem>> -> memref<16x128xi32, #tpu.memory_space<vmem>>
        %dma_start3A_570 = arith.constant 0 : i32
        %dma_start3A_571 = tpu.memref_slice %arg2[%multiple_of3A_549, %dma_start3A_570] : memref<2560x128xi32, #tpu.memory_space<hbm>> -> memref<16x128xi32, #tpu.memory_space<hbm>>
        %dma_start3A_572 = arith.constant 0 : i32
        %dma_start3A_573 = arith.constant 0 : i32
        %dma_start3A_574 = tpu.memref_slice %arg7[%select_n3A_565, %dma_start3A_572, %dma_start3A_573] : memref<2x16x128xi32, #tpu.memory_space<vmem>> -> memref<1x16x128xi32, #tpu.memory_space<vmem>>
        %dma_start3A_575 = tpu.memref_squeeze %dma_start3A_574 : memref<1x16x128xi32, #tpu.memory_space<vmem>> -> memref<16x128xi32, #tpu.memory_space<vmem>>
        %dma_start3A_576 = arith.constant 0 : i32
        %dma_start3A_577 = tpu.memref_slice %arg2[%multiple_of3A_549, %dma_start3A_576] : memref<2560x128xi32, #tpu.memory_space<hbm>> -> memref<16x128xi32, #tpu.memory_space<hbm>>
        tpu.enqueue_dma source(%dma_start3A_577 : memref<16x128xi32, #tpu.memory_space<hbm>>) target(%dma_start3A_575 : memref<16x128xi32, #tpu.memory_space<vmem>>) target_semaphore(%arg13 : memref<!tpu.dma_semaphore, #tpu.memory_space<semaphore_mem>>)
        %dma_start3A_578 = arith.constant 0 : i32
        %dma_start3A_579 = arith.constant 0 : i32
        %dma_start3A_580 = tpu.memref_slice %arg8[%select_n3A_565, %dma_start3A_578, %dma_start3A_579] : memref<2x16x128xi32, #tpu.memory_space<vmem>> -> memref<1x16x128xi32, #tpu.memory_space<vmem>>
        %dma_start3A_581 = tpu.memref_squeeze %dma_start3A_580 : memref<1x16x128xi32, #tpu.memory_space<vmem>> -> memref<16x128xi32, #tpu.memory_space<vmem>>
        %dma_start3A_582 = arith.constant 0 : i32
        %dma_start3A_583 = tpu.memref_slice %arg3[%multiple_of3A_549, %dma_start3A_582] : memref<2560x128xi32, #tpu.memory_space<hbm>> -> memref<16x128xi32, #tpu.memory_space<hbm>>
        %dma_start3A_584 = arith.constant 0 : i32
        %dma_start3A_585 = arith.constant 0 : i32
        %dma_start3A_586 = tpu.memref_slice %arg8[%select_n3A_565, %dma_start3A_584, %dma_start3A_585] : memref<2x16x128xi32, #tpu.memory_space<vmem>> -> memref<1x16x128xi32, #tpu.memory_space<vmem>>
        %dma_start3A_587 = tpu.memref_squeeze %dma_start3A_586 : memref<1x16x128xi32, #tpu.memory_space<vmem>> -> memref<16x128xi32, #tpu.memory_space<vmem>>
        %dma_start3A_588 = arith.constant 0 : i32
        %dma_start3A_589 = tpu.memref_slice %arg3[%multiple_of3A_549, %dma_start3A_588] : memref<2560x128xi32, #tpu.memory_space<hbm>> -> memref<16x128xi32, #tpu.memory_space<hbm>>
        tpu.enqueue_dma source(%dma_start3A_589 : memref<16x128xi32, #tpu.memory_space<hbm>>) target(%dma_start3A_587 : memref<16x128xi32, #tpu.memory_space<vmem>>) target_semaphore(%arg13 : memref<!tpu.dma_semaphore, #tpu.memory_space<semaphore_mem>>)
      } else {
      }
    }
    %barrier3A_109 = arith.constant 0 : index
    tpu.barrier barrier_id(%barrier3A_109)
    %add3A_110 = arith.constant 0 : i32
    %add3A_111 = arith.addi %mul3A_26, %add3A_110 : i32
    %dma_start3A_112 = arith.constant 0 : i32
    %dma_start3A_113 = tpu.memref_slice %arg6[%arg0, %add3A_111, %dma_start3A_112] : memref<2x10240x128xf32, #tpu.memory_space<hbm>> -> memref<1x128x128xf32, #tpu.memory_space<hbm>>
    %dma_start3A_114 = tpu.memref_squeeze %dma_start3A_113 : memref<1x128x128xf32, #tpu.memory_space<hbm>> -> memref<128x128xf32, #tpu.memory_space<hbm>>
    %dma_start3A_115 = arith.constant 0 : i32
    %dma_start3A_116 = tpu.memref_slice %arg15[%add3A_111, %dma_start3A_115] : memref<10240x128xf32, #tpu.memory_space<vmem_shared>> -> memref<128x128xf32, #tpu.memory_space<vmem_shared>>
    tpu.enqueue_dma source(%dma_start3A_116 : memref<128x128xf32, #tpu.memory_space<vmem_shared>>) target(%dma_start3A_114 : memref<128x128xf32, #tpu.memory_space<hbm>>) target_semaphore(%arg14 : memref<!tpu.dma_semaphore, #tpu.memory_space<semaphore_mem>>)
    %add3A_117 = arith.constant 128 : i32
    %add3A_118 = arith.addi %mul3A_26, %add3A_117 : i32
    %dma_start3A_119 = arith.constant 0 : i32
    %dma_start3A_120 = tpu.memref_slice %arg6[%arg0, %add3A_118, %dma_start3A_119] : memref<2x10240x128xf32, #tpu.memory_space<hbm>> -> memref<1x128x128xf32, #tpu.memory_space<hbm>>
    %dma_start3A_121 = tpu.memref_squeeze %dma_start3A_120 : memref<1x128x128xf32, #tpu.memory_space<hbm>> -> memref<128x128xf32, #tpu.memory_space<hbm>>
    %dma_start3A_122 = arith.constant 0 : i32
    %dma_start3A_123 = tpu.memref_slice %arg15[%add3A_118, %dma_start3A_122] : memref<10240x128xf32, #tpu.memory_space<vmem_shared>> -> memref<128x128xf32, #tpu.memory_space<vmem_shared>>
    tpu.enqueue_dma source(%dma_start3A_123 : memref<128x128xf32, #tpu.memory_space<vmem_shared>>) target(%dma_start3A_121 : memref<128x128xf32, #tpu.memory_space<hbm>>) target_semaphore(%arg14 : memref<!tpu.dma_semaphore, #tpu.memory_space<semaphore_mem>>)
    %add3A_124 = arith.constant 256 : i32
    %add3A_125 = arith.addi %mul3A_26, %add3A_124 : i32
    %dma_start3A_126 = arith.constant 0 : i32
    %dma_start3A_127 = tpu.memref_slice %arg6[%arg0, %add3A_125, %dma_start3A_126] : memref<2x10240x128xf32, #tpu.memory_space<hbm>> -> memref<1x128x128xf32, #tpu.memory_space<hbm>>
    %dma_start3A_128 = tpu.memref_squeeze %dma_start3A_127 : memref<1x128x128xf32, #tpu.memory_space<hbm>> -> memref<128x128xf32, #tpu.memory_space<hbm>>
    %dma_start3A_129 = arith.constant 0 : i32
    %dma_start3A_130 = tpu.memref_slice %arg15[%add3A_125, %dma_start3A_129] : memref<10240x128xf32, #tpu.memory_space<vmem_shared>> -> memref<128x128xf32, #tpu.memory_space<vmem_shared>>
    tpu.enqueue_dma source(%dma_start3A_130 : memref<128x128xf32, #tpu.memory_space<vmem_shared>>) target(%dma_start3A_128 : memref<128x128xf32, #tpu.memory_space<hbm>>) target_semaphore(%arg14 : memref<!tpu.dma_semaphore, #tpu.memory_space<semaphore_mem>>)
    %add3A_131 = arith.constant 384 : i32
    %add3A_132 = arith.addi %mul3A_26, %add3A_131 : i32
    %dma_start3A_133 = arith.constant 0 : i32
    %dma_start3A_134 = tpu.memref_slice %arg6[%arg0, %add3A_132, %dma_start3A_133] : memref<2x10240x128xf32, #tpu.memory_space<hbm>> -> memref<1x128x128xf32, #tpu.memory_space<hbm>>
    %dma_start3A_135 = tpu.memref_squeeze %dma_start3A_134 : memref<1x128x128xf32, #tpu.memory_space<hbm>> -> memref<128x128xf32, #tpu.memory_space<hbm>>
    %dma_start3A_136 = arith.constant 0 : i32
    %dma_start3A_137 = tpu.memref_slice %arg15[%add3A_132, %dma_start3A_136] : memref<10240x128xf32, #tpu.memory_space<vmem_shared>> -> memref<128x128xf32, #tpu.memory_space<vmem_shared>>
    tpu.enqueue_dma source(%dma_start3A_137 : memref<128x128xf32, #tpu.memory_space<vmem_shared>>) target(%dma_start3A_135 : memref<128x128xf32, #tpu.memory_space<hbm>>) target_semaphore(%arg14 : memref<!tpu.dma_semaphore, #tpu.memory_space<semaphore_mem>>)
    %add3A_138 = arith.constant 512 : i32
    %add3A_139 = arith.addi %mul3A_26, %add3A_138 : i32
    %dma_start3A_140 = arith.constant 0 : i32
    %dma_start3A_141 = tpu.memref_slice %arg6[%arg0, %add3A_139, %dma_start3A_140] : memref<2x10240x128xf32, #tpu.memory_space<hbm>> -> memref<1x128x128xf32, #tpu.memory_space<hbm>>
    %dma_start3A_142 = tpu.memref_squeeze %dma_start3A_141 : memref<1x128x128xf32, #tpu.memory_space<hbm>> -> memref<128x128xf32, #tpu.memory_space<hbm>>
    %dma_start3A_143 = arith.constant 0 : i32
    %dma_start3A_144 = tpu.memref_slice %arg15[%add3A_139, %dma_start3A_143] : memref<10240x128xf32, #tpu.memory_space<vmem_shared>> -> memref<128x128xf32, #tpu.memory_space<vmem_shared>>
    tpu.enqueue_dma source(%dma_start3A_144 : memref<128x128xf32, #tpu.memory_space<vmem_shared>>) target(%dma_start3A_142 : memref<128x128xf32, #tpu.memory_space<hbm>>) target_semaphore(%arg14 : memref<!tpu.dma_semaphore, #tpu.memory_space<semaphore_mem>>)
    %add3A_145 = arith.constant 0 : i32
    %add3A_146 = arith.addi %mul3A_26, %add3A_145 : i32
    %dma_wait3A_147 = arith.constant 0 : i32
    %dma_wait3A_148 = tpu.memref_slice %arg6[%arg0, %add3A_146, %dma_wait3A_147] : memref<2x10240x128xf32, #tpu.memory_space<hbm>> -> memref<1x128x128xf32, #tpu.memory_space<hbm>>
    %dma_wait3A_149 = tpu.memref_squeeze %dma_wait3A_148 : memref<1x128x128xf32, #tpu.memory_space<hbm>> -> memref<128x128xf32, #tpu.memory_space<hbm>>
    %dma_wait3A_150 = arith.constant 0 : i32
    %dma_wait3A_151 = tpu.memref_slice %arg15[%add3A_146, %dma_wait3A_150] : memref<10240x128xf32, #tpu.memory_space<vmem_shared>> -> memref<128x128xf32, #tpu.memory_space<vmem_shared>>
    tpu.wait_dma2 semaphore(%arg14 : memref<!tpu.dma_semaphore, #tpu.memory_space<semaphore_mem>>) src(%dma_wait3A_151 : memref<128x128xf32, #tpu.memory_space<vmem_shared>>) dst(%dma_wait3A_149 : memref<128x128xf32, #tpu.memory_space<hbm>>)
    %add3A_152 = arith.constant 128 : i32
    %add3A_153 = arith.addi %mul3A_26, %add3A_152 : i32
    %dma_wait3A_154 = arith.constant 0 : i32
    %dma_wait3A_155 = tpu.memref_slice %arg6[%arg0, %add3A_153, %dma_wait3A_154] : memref<2x10240x128xf32, #tpu.memory_space<hbm>> -> memref<1x128x128xf32, #tpu.memory_space<hbm>>
    %dma_wait3A_156 = tpu.memref_squeeze %dma_wait3A_155 : memref<1x128x128xf32, #tpu.memory_space<hbm>> -> memref<128x128xf32, #tpu.memory_space<hbm>>
    %dma_wait3A_157 = arith.constant 0 : i32
    %dma_wait3A_158 = tpu.memref_slice %arg15[%add3A_153, %dma_wait3A_157] : memref<10240x128xf32, #tpu.memory_space<vmem_shared>> -> memref<128x128xf32, #tpu.memory_space<vmem_shared>>
    tpu.wait_dma2 semaphore(%arg14 : memref<!tpu.dma_semaphore, #tpu.memory_space<semaphore_mem>>) src(%dma_wait3A_158 : memref<128x128xf32, #tpu.memory_space<vmem_shared>>) dst(%dma_wait3A_156 : memref<128x128xf32, #tpu.memory_space<hbm>>)
    %add3A_159 = arith.constant 256 : i32
    %add3A_160 = arith.addi %mul3A_26, %add3A_159 : i32
    %dma_wait3A_161 = arith.constant 0 : i32
    %dma_wait3A_162 = tpu.memref_slice %arg6[%arg0, %add3A_160, %dma_wait3A_161] : memref<2x10240x128xf32, #tpu.memory_space<hbm>> -> memref<1x128x128xf32, #tpu.memory_space<hbm>>
    %dma_wait3A_163 = tpu.memref_squeeze %dma_wait3A_162 : memref<1x128x128xf32, #tpu.memory_space<hbm>> -> memref<128x128xf32, #tpu.memory_space<hbm>>
    %dma_wait3A_164 = arith.constant 0 : i32
    %dma_wait3A_165 = tpu.memref_slice %arg15[%add3A_160, %dma_wait3A_164] : memref<10240x128xf32, #tpu.memory_space<vmem_shared>> -> memref<128x128xf32, #tpu.memory_space<vmem_shared>>
    tpu.wait_dma2 semaphore(%arg14 : memref<!tpu.dma_semaphore, #tpu.memory_space<semaphore_mem>>) src(%dma_wait3A_165 : memref<128x128xf32, #tpu.memory_space<vmem_shared>>) dst(%dma_wait3A_163 : memref<128x128xf32, #tpu.memory_space<hbm>>)
    %add3A_166 = arith.constant 384 : i32
    %add3A_167 = arith.addi %mul3A_26, %add3A_166 : i32
    %dma_wait3A_168 = arith.constant 0 : i32
    %dma_wait3A_169 = tpu.memref_slice %arg6[%arg0, %add3A_167, %dma_wait3A_168] : memref<2x10240x128xf32, #tpu.memory_space<hbm>> -> memref<1x128x128xf32, #tpu.memory_space<hbm>>
    %dma_wait3A_170 = tpu.memref_squeeze %dma_wait3A_169 : memref<1x128x128xf32, #tpu.memory_space<hbm>> -> memref<128x128xf32, #tpu.memory_space<hbm>>
    %dma_wait3A_171 = arith.constant 0 : i32
    %dma_wait3A_172 = tpu.memref_slice %arg15[%add3A_167, %dma_wait3A_171] : memref<10240x128xf32, #tpu.memory_space<vmem_shared>> -> memref<128x128xf32, #tpu.memory_space<vmem_shared>>
    tpu.wait_dma2 semaphore(%arg14 : memref<!tpu.dma_semaphore, #tpu.memory_space<semaphore_mem>>) src(%dma_wait3A_172 : memref<128x128xf32, #tpu.memory_space<vmem_shared>>) dst(%dma_wait3A_170 : memref<128x128xf32, #tpu.memory_space<hbm>>)
    %add3A_173 = arith.constant 512 : i32
    %add3A_174 = arith.addi %mul3A_26, %add3A_173 : i32
    %dma_wait3A_175 = arith.constant 0 : i32
    %dma_wait3A_176 = tpu.memref_slice %arg6[%arg0, %add3A_174, %dma_wait3A_175] : memref<2x10240x128xf32, #tpu.memory_space<hbm>> -> memref<1x128x128xf32, #tpu.memory_space<hbm>>
    %dma_wait3A_177 = tpu.memref_squeeze %dma_wait3A_176 : memref<1x128x128xf32, #tpu.memory_space<hbm>> -> memref<128x128xf32, #tpu.memory_space<hbm>>
    %dma_wait3A_178 = arith.constant 0 : i32
    %dma_wait3A_179 = tpu.memref_slice %arg15[%add3A_174, %dma_wait3A_178] : memref<10240x128xf32, #tpu.memory_space<vmem_shared>> -> memref<128x128xf32, #tpu.memory_space<vmem_shared>>
    tpu.wait_dma2 semaphore(%arg14 : memref<!tpu.dma_semaphore, #tpu.memory_space<semaphore_mem>>) src(%dma_wait3A_179 : memref<128x128xf32, #tpu.memory_space<vmem_shared>>) dst(%dma_wait3A_177 : memref<128x128xf32, #tpu.memory_space<hbm>>)
    return
  }
}

#map = affine_map<(d0, d1) -> (0, 0)>
#map1 = affine_map<(d0, d1) -> (0, 0, 0)>
module attributes {stable_mosaic.version = 14 : i64} {
  func.func @_sc_degree_body(%arg0: i32, %arg1: i32, %arg2: memref<2560x128xi32, #tpu.memory_space<hbm>>, %arg3: memref<128x16xf32, #tpu.memory_space<hbm>>, %arg4: memref<128x16xf32, #tpu.memory_space<hbm>>, %arg5: memref<2x10240x16xf32, #tpu.memory_space<hbm>>, %arg6: memref<80x128xi32, #tpu.memory_space<vmem>>, %arg7: memref<128x16xf32, #tpu.memory_space<vmem>>, %arg8: memref<10240x16xf32, #tpu.memory_space<vmem_shared>>) attributes {dimension_semantics = [#tpu.dimension_semantics<core_parallel>, #tpu.dimension_semantics<subcore_parallel>], iteration_bounds = array<i64: 2, 16>, scalar_prefetch = 0 : i64, scratch_operands = 3 : i64, tpu.core_type = #tpu.core_type<sc_vector_subcore>, window_params = [{transform_indices = #map}, {transform_indices = #map}, {transform_indices = #map}, {transform_indices = #map1}]} {
    %mul3A = arith.constant 2 : i32
    %mul3A_0 = arith.muli %arg1, %mul3A : i32
    %add3A = arith.addi %mul3A_0, %arg0 : i32
    %mul3A_1 = arith.constant 640 : i32
    %mul3A_2 = arith.muli %arg1, %mul3A_1 : i32
    %add3A_3 = arith.constant 0 : i32
    %add3A_4 = arith.addi %mul3A_2, %add3A_3 : i32
    "tpu.region"() ({
      %run_scoped3A = tpu.sem_alloc : memref<!tpu.dma_semaphore, #tpu.memory_space<semaphore_mem>>
      %dma_start3A = arith.constant 0 : i32
      %dma_start3A_21 = tpu.memref_slice %arg8[%add3A_4, %dma_start3A] : memref<10240x16xf32, #tpu.memory_space<vmem_shared>> -> memref<128x16xf32, #tpu.memory_space<vmem_shared>>
      tpu.enqueue_dma source(%arg3 : memref<128x16xf32, #tpu.memory_space<hbm>>) target(%dma_start3A_21 : memref<128x16xf32, #tpu.memory_space<vmem_shared>>) target_semaphore(%run_scoped3A : memref<!tpu.dma_semaphore, #tpu.memory_space<semaphore_mem>>)
      %dma_wait3A = arith.constant 0 : i32
      %dma_wait3A_22 = tpu.memref_slice %arg8[%add3A_4, %dma_wait3A] : memref<10240x16xf32, #tpu.memory_space<vmem_shared>> -> memref<128x16xf32, #tpu.memory_space<vmem_shared>>
      tpu.wait_dma2 semaphore(%run_scoped3A : memref<!tpu.dma_semaphore, #tpu.memory_space<semaphore_mem>>) src(%arg3 : memref<128x16xf32, #tpu.memory_space<hbm>>) dst(%dma_wait3A_22 : memref<128x16xf32, #tpu.memory_space<vmem_shared>>)
      tpu.yield
    }) : () -> ()
    %add3A_5 = arith.constant 128 : i32
    %add3A_6 = arith.addi %mul3A_2, %add3A_5 : i32
    "tpu.region"() ({
      %run_scoped3A = tpu.sem_alloc : memref<!tpu.dma_semaphore, #tpu.memory_space<semaphore_mem>>
      %dma_start3A = arith.constant 0 : i32
      %dma_start3A_21 = tpu.memref_slice %arg8[%add3A_6, %dma_start3A] : memref<10240x16xf32, #tpu.memory_space<vmem_shared>> -> memref<128x16xf32, #tpu.memory_space<vmem_shared>>
      tpu.enqueue_dma source(%arg3 : memref<128x16xf32, #tpu.memory_space<hbm>>) target(%dma_start3A_21 : memref<128x16xf32, #tpu.memory_space<vmem_shared>>) target_semaphore(%run_scoped3A : memref<!tpu.dma_semaphore, #tpu.memory_space<semaphore_mem>>)
      %dma_wait3A = arith.constant 0 : i32
      %dma_wait3A_22 = tpu.memref_slice %arg8[%add3A_6, %dma_wait3A] : memref<10240x16xf32, #tpu.memory_space<vmem_shared>> -> memref<128x16xf32, #tpu.memory_space<vmem_shared>>
      tpu.wait_dma2 semaphore(%run_scoped3A : memref<!tpu.dma_semaphore, #tpu.memory_space<semaphore_mem>>) src(%arg3 : memref<128x16xf32, #tpu.memory_space<hbm>>) dst(%dma_wait3A_22 : memref<128x16xf32, #tpu.memory_space<vmem_shared>>)
      tpu.yield
    }) : () -> ()
    %add3A_7 = arith.constant 256 : i32
    %add3A_8 = arith.addi %mul3A_2, %add3A_7 : i32
    "tpu.region"() ({
      %run_scoped3A = tpu.sem_alloc : memref<!tpu.dma_semaphore, #tpu.memory_space<semaphore_mem>>
      %dma_start3A = arith.constant 0 : i32
      %dma_start3A_21 = tpu.memref_slice %arg8[%add3A_8, %dma_start3A] : memref<10240x16xf32, #tpu.memory_space<vmem_shared>> -> memref<128x16xf32, #tpu.memory_space<vmem_shared>>
      tpu.enqueue_dma source(%arg3 : memref<128x16xf32, #tpu.memory_space<hbm>>) target(%dma_start3A_21 : memref<128x16xf32, #tpu.memory_space<vmem_shared>>) target_semaphore(%run_scoped3A : memref<!tpu.dma_semaphore, #tpu.memory_space<semaphore_mem>>)
      %dma_wait3A = arith.constant 0 : i32
      %dma_wait3A_22 = tpu.memref_slice %arg8[%add3A_8, %dma_wait3A] : memref<10240x16xf32, #tpu.memory_space<vmem_shared>> -> memref<128x16xf32, #tpu.memory_space<vmem_shared>>
      tpu.wait_dma2 semaphore(%run_scoped3A : memref<!tpu.dma_semaphore, #tpu.memory_space<semaphore_mem>>) src(%arg3 : memref<128x16xf32, #tpu.memory_space<hbm>>) dst(%dma_wait3A_22 : memref<128x16xf32, #tpu.memory_space<vmem_shared>>)
      tpu.yield
    }) : () -> ()
    %add3A_9 = arith.constant 384 : i32
    %add3A_10 = arith.addi %mul3A_2, %add3A_9 : i32
    "tpu.region"() ({
      %run_scoped3A = tpu.sem_alloc : memref<!tpu.dma_semaphore, #tpu.memory_space<semaphore_mem>>
      %dma_start3A = arith.constant 0 : i32
      %dma_start3A_21 = tpu.memref_slice %arg8[%add3A_10, %dma_start3A] : memref<10240x16xf32, #tpu.memory_space<vmem_shared>> -> memref<128x16xf32, #tpu.memory_space<vmem_shared>>
      tpu.enqueue_dma source(%arg3 : memref<128x16xf32, #tpu.memory_space<hbm>>) target(%dma_start3A_21 : memref<128x16xf32, #tpu.memory_space<vmem_shared>>) target_semaphore(%run_scoped3A : memref<!tpu.dma_semaphore, #tpu.memory_space<semaphore_mem>>)
      %dma_wait3A = arith.constant 0 : i32
      %dma_wait3A_22 = tpu.memref_slice %arg8[%add3A_10, %dma_wait3A] : memref<10240x16xf32, #tpu.memory_space<vmem_shared>> -> memref<128x16xf32, #tpu.memory_space<vmem_shared>>
      tpu.wait_dma2 semaphore(%run_scoped3A : memref<!tpu.dma_semaphore, #tpu.memory_space<semaphore_mem>>) src(%arg3 : memref<128x16xf32, #tpu.memory_space<hbm>>) dst(%dma_wait3A_22 : memref<128x16xf32, #tpu.memory_space<vmem_shared>>)
      tpu.yield
    }) : () -> ()
    %add3A_11 = arith.constant 512 : i32
    %add3A_12 = arith.addi %mul3A_2, %add3A_11 : i32
    "tpu.region"() ({
      %run_scoped3A = tpu.sem_alloc : memref<!tpu.dma_semaphore, #tpu.memory_space<semaphore_mem>>
      %dma_start3A = arith.constant 0 : i32
      %dma_start3A_21 = tpu.memref_slice %arg8[%add3A_12, %dma_start3A] : memref<10240x16xf32, #tpu.memory_space<vmem_shared>> -> memref<128x16xf32, #tpu.memory_space<vmem_shared>>
      tpu.enqueue_dma source(%arg3 : memref<128x16xf32, #tpu.memory_space<hbm>>) target(%dma_start3A_21 : memref<128x16xf32, #tpu.memory_space<vmem_shared>>) target_semaphore(%run_scoped3A : memref<!tpu.dma_semaphore, #tpu.memory_space<semaphore_mem>>)
      %dma_wait3A = arith.constant 0 : i32
      %dma_wait3A_22 = tpu.memref_slice %arg8[%add3A_12, %dma_wait3A] : memref<10240x16xf32, #tpu.memory_space<vmem_shared>> -> memref<128x16xf32, #tpu.memory_space<vmem_shared>>
      tpu.wait_dma2 semaphore(%run_scoped3A : memref<!tpu.dma_semaphore, #tpu.memory_space<semaphore_mem>>) src(%arg3 : memref<128x16xf32, #tpu.memory_space<hbm>>) dst(%dma_wait3A_22 : memref<128x16xf32, #tpu.memory_space<vmem_shared>>)
      tpu.yield
    }) : () -> ()
    "tpu.region"() ({
      %run_scoped3A = tpu.sem_alloc : memref<!tpu.dma_semaphore, #tpu.memory_space<semaphore_mem>>
      tpu.enqueue_dma source(%arg4 : memref<128x16xf32, #tpu.memory_space<hbm>>) target(%arg7 : memref<128x16xf32, #tpu.memory_space<vmem>>) target_semaphore(%run_scoped3A : memref<!tpu.dma_semaphore, #tpu.memory_space<semaphore_mem>>)
      tpu.wait_dma2 semaphore(%run_scoped3A : memref<!tpu.dma_semaphore, #tpu.memory_space<semaphore_mem>>) src(%arg4 : memref<128x16xf32, #tpu.memory_space<hbm>>) dst(%arg7 : memref<128x16xf32, #tpu.memory_space<vmem>>)
      tpu.yield
    }) : () -> ()
    %mul3A_13 = arith.constant 80 : i32
    %mul3A_14 = arith.muli %add3A, %mul3A_13 : i32
    "tpu.region"() ({
      %run_scoped3A = tpu.sem_alloc : memref<!tpu.dma_semaphore, #tpu.memory_space<semaphore_mem>>
      %dma_start3A = arith.constant 0 : i32
      %dma_start3A_21 = tpu.memref_slice %arg2[%mul3A_14, %dma_start3A] : memref<2560x128xi32, #tpu.memory_space<hbm>> -> memref<80x128xi32, #tpu.memory_space<hbm>>
      %dma_start3A_22 = arith.constant 0 : i32
      %dma_start3A_23 = tpu.memref_slice %arg2[%mul3A_14, %dma_start3A_22] : memref<2560x128xi32, #tpu.memory_space<hbm>> -> memref<80x128xi32, #tpu.memory_space<hbm>>
      tpu.enqueue_dma source(%dma_start3A_23 : memref<80x128xi32, #tpu.memory_space<hbm>>) target(%arg6 : memref<80x128xi32, #tpu.memory_space<vmem>>) target_semaphore(%run_scoped3A : memref<!tpu.dma_semaphore, #tpu.memory_space<semaphore_mem>>)
      %dma_wait3A = arith.constant 0 : i32
      %dma_wait3A_24 = tpu.memref_slice %arg2[%mul3A_14, %dma_wait3A] : memref<2560x128xi32, #tpu.memory_space<hbm>> -> memref<80x128xi32, #tpu.memory_space<hbm>>
      %dma_wait3A_25 = arith.constant 0 : i32
      %dma_wait3A_26 = tpu.memref_slice %arg2[%mul3A_14, %dma_wait3A_25] : memref<2560x128xi32, #tpu.memory_space<hbm>> -> memref<80x128xi32, #tpu.memory_space<hbm>>
      tpu.wait_dma2 semaphore(%run_scoped3A : memref<!tpu.dma_semaphore, #tpu.memory_space<semaphore_mem>>) src(%dma_wait3A_26 : memref<80x128xi32, #tpu.memory_space<hbm>>) dst(%arg6 : memref<80x128xi32, #tpu.memory_space<vmem>>)
      tpu.yield
    }) : () -> ()
    %barrier3A = arith.constant 0 : index
    tpu.barrier barrier_id(%barrier3A)
    %scan3A = arith.constant 0 : i32
    %scan3A_15 = arith.constant 0 : i32
    %scan3A_16 = arith.constant 80 : i32
    %scan3A_17 = arith.addi %scan3A_15, %scan3A_16 : i32
    %scan3A_18 = arith.constant 1 : i32
    scf.for %scan3A_21 = %scan3A_15 to %scan3A_17 step %scan3A_18  : i32 {
      "tpu.region"() ({
        %run_scoped3A = tpu.sem_alloc : memref<!tpu.dma_semaphore, #tpu.memory_space<semaphore_mem>>
        %dma_start3A = arith.constant 0 : i32
        %dma_start3A_22 = tpu.memref_slice %arg6[%scan3A_21, %dma_start3A] : memref<80x128xi32, #tpu.memory_space<vmem>> -> memref<1x128xi32, #tpu.memory_space<vmem>>
        %dma_start3A_23 = tpu.memref_squeeze %dma_start3A_22 : memref<1x128xi32, #tpu.memory_space<vmem>> -> memref<128xi32, #tpu.memory_space<vmem>>
        %dma_start3A_24 = arith.constant 0 : i32
        %dma_start3A_25 = arith.constant 0 : i32
        %dma_start3A_26 = tpu.memref_slice %arg8[%dma_start3A_24, %dma_start3A_25] : memref<10240x16xf32, #tpu.memory_space<vmem_shared>> -> memref<10240x16xf32, #tpu.memory_space<vmem_shared>>
        tpu.enqueue_indirect_dma source(%arg7 : memref<128x16xf32, #tpu.memory_space<vmem>>) target(%dma_start3A_26 : memref<10240x16xf32, #tpu.memory_space<vmem_shared>>) offsets(%dma_start3A_23 : memref<128xi32, #tpu.memory_space<vmem>>) semaphore(%run_scoped3A : memref<!tpu.dma_semaphore, #tpu.memory_space<semaphore_mem>>) {add = true}
        %dma_wait3A = arith.constant 0 : i32
        %dma_wait3A_27 = tpu.memref_slice %arg6[%scan3A_21, %dma_wait3A] : memref<80x128xi32, #tpu.memory_space<vmem>> -> memref<1x128xi32, #tpu.memory_space<vmem>>
        %dma_wait3A_28 = tpu.memref_squeeze %dma_wait3A_27 : memref<1x128xi32, #tpu.memory_space<vmem>> -> memref<128xi32, #tpu.memory_space<vmem>>
        %dma_wait3A_29 = arith.constant 0 : i32
        %dma_wait3A_30 = arith.constant 0 : i32
        %dma_wait3A_31 = tpu.memref_slice %arg8[%dma_wait3A_29, %dma_wait3A_30] : memref<10240x16xf32, #tpu.memory_space<vmem_shared>> -> memref<10240x16xf32, #tpu.memory_space<vmem_shared>>
        tpu.wait_indirect_dma semaphore(%run_scoped3A : memref<!tpu.dma_semaphore, #tpu.memory_space<semaphore_mem>>) src(%arg7 : memref<128x16xf32, #tpu.memory_space<vmem>>) dst(%dma_wait3A_31 : memref<10240x16xf32, #tpu.memory_space<vmem_shared>>)
        tpu.yield
      }) : () -> ()
    }
    %scan3A_19 = arith.constant 80 : i32
    %barrier3A_20 = arith.constant 0 : index
    tpu.barrier barrier_id(%barrier3A_20)
    "tpu.region"() ({
      %run_scoped3A = tpu.sem_alloc : memref<!tpu.dma_semaphore, #tpu.memory_space<semaphore_mem>>
      %dma_start3A = arith.constant 0 : i32
      %dma_start3A_21 = tpu.memref_slice %arg5[%arg0, %mul3A_2, %dma_start3A] : memref<2x10240x16xf32, #tpu.memory_space<hbm>> -> memref<1x640x16xf32, #tpu.memory_space<hbm>>
      %dma_start3A_22 = tpu.memref_squeeze %dma_start3A_21 : memref<1x640x16xf32, #tpu.memory_space<hbm>> -> memref<640x16xf32, #tpu.memory_space<hbm>>
      %dma_start3A_23 = arith.constant 0 : i32
      %dma_start3A_24 = tpu.memref_slice %arg8[%mul3A_2, %dma_start3A_23] : memref<10240x16xf32, #tpu.memory_space<vmem_shared>> -> memref<640x16xf32, #tpu.memory_space<vmem_shared>>
      tpu.enqueue_dma source(%dma_start3A_24 : memref<640x16xf32, #tpu.memory_space<vmem_shared>>) target(%dma_start3A_22 : memref<640x16xf32, #tpu.memory_space<hbm>>) target_semaphore(%run_scoped3A : memref<!tpu.dma_semaphore, #tpu.memory_space<semaphore_mem>>)
      %dma_wait3A = arith.constant 0 : i32
      %dma_wait3A_25 = tpu.memref_slice %arg5[%arg0, %mul3A_2, %dma_wait3A] : memref<2x10240x16xf32, #tpu.memory_space<hbm>> -> memref<1x640x16xf32, #tpu.memory_space<hbm>>
      %dma_wait3A_26 = tpu.memref_squeeze %dma_wait3A_25 : memref<1x640x16xf32, #tpu.memory_space<hbm>> -> memref<640x16xf32, #tpu.memory_space<hbm>>
      %dma_wait3A_27 = arith.constant 0 : i32
      %dma_wait3A_28 = tpu.memref_slice %arg8[%mul3A_2, %dma_wait3A_27] : memref<10240x16xf32, #tpu.memory_space<vmem_shared>> -> memref<640x16xf32, #tpu.memory_space<vmem_shared>>
      tpu.wait_dma2 semaphore(%run_scoped3A : memref<!tpu.dma_semaphore, #tpu.memory_space<semaphore_mem>>) src(%dma_wait3A_28 : memref<640x16xf32, #tpu.memory_space<vmem_shared>>) dst(%dma_wait3A_26 : memref<640x16xf32, #tpu.memory_space<hbm>>)
      tpu.yield
    }) : () -> ()
    return
  }
}

module attributes {stable_mosaic.version = 14 : i64} {
  func.func @_pre_body(%arg0: i32, %arg1: memref<256x128xf32, #tpu.memory_space<vmem>>, %arg2: memref<128x128xf32, #tpu.memory_space<vmem>>, %arg3: memref<256x128xf32, #tpu.memory_space<vmem>>) attributes {dimension_semantics = [#tpu.dimension_semantics<arbitrary>], iteration_bounds = array<i64: 40>, scalar_prefetch = 0 : i64, scratch_operands = 0 : i64, tpu.core_type = #tpu.core_type<tc>, window_params = [{transform_indices = @transform_0, window_bounds = array<i64: 256, 128>}, {pipeline_mode = #tpu.pipeline_mode<synchronous>, transform_indices = @transform_1, window_bounds = array<i64: 128, 128>}, {transform_indices = @transform_2, window_bounds = array<i64: 256, 128>}]} {
    %get3A = arith.constant 0 : index
    %get3A_0 = arith.constant 0 : index
    %get3A_1 = vector.load %arg1[%get3A, %get3A_0] : memref<256x128xf32, #tpu.memory_space<vmem>>, vector<256x128xf32>
    %get3A_2 = arith.constant 0 : index
    %get3A_3 = arith.constant 0 : index
    %get3A_4 = vector.load %arg2[%get3A_2, %get3A_3] : memref<128x128xf32, #tpu.memory_space<vmem>>, vector<128x128xf32>
    %dot_general3A = arith.constant dense<0.000000e+00> : vector<256x128xf32>
    %dot_general3A_5 = tpu.matmul %get3A_1, %get3A_4, %dot_general3A {dimension_numbers = #tpu.dot_dimension_numbers<[1], [0], [0], [1], [0, 0, 1, 1], [], []>, transpose_lhs_hint = false} : vector<256x128xf32>, vector<128x128xf32>, vector<256x128xf32> -> vector<256x128xf32>
    %swap3A = arith.constant 0 : index
    %swap3A_6 = arith.constant 0 : index
    %swap3A_7 = vector.load %arg3[%swap3A, %swap3A_6] : memref<256x128xf32, #tpu.memory_space<vmem>>, vector<256x128xf32>
    tpu.vector_store %arg3[%swap3A, %swap3A_6], %dot_general3A_5 {strides = array<i32>} : memref<256x128xf32, #tpu.memory_space<vmem>>, vector<256x128xf32>,
    return
  }
  func.func @transform_0(%arg0: i32) -> (i32, i32) {
    %c0_i32 = arith.constant 0 : i32
    %c0_i32_0 = arith.constant 0 : i32
    return %arg0, %c0_i32 : i32, i32
  }
  func.func @transform_1(%arg0: i32) -> (i32, i32) {
    %c0_i32 = arith.constant 0 : i32
    %c0_i32_0 = arith.constant 0 : i32
    %c0_i32_1 = arith.constant 0 : i32
    return %c0_i32, %c0_i32_0 : i32, i32
  }
  func.func @transform_2(%arg0: i32) -> (i32, i32) {
    %c0_i32 = arith.constant 0 : i32
    %c0_i32_0 = arith.constant 0 : i32
    return %arg0, %c0_i32 : i32, i32
  }
}

module attributes {stable_mosaic.version = 14 : i64} {
  func.func @_scale_body(%arg0: i32, %arg1: memref<256x16xf32, #tpu.memory_space<vmem>>, %arg2: memref<256x16xf32, #tpu.memory_space<vmem>>, %arg3: memref<256x128xf32, #tpu.memory_space<vmem>>, %arg4: memref<256x128xf32, #tpu.memory_space<vmem>>, %arg5: memref<256x16xf32, #tpu.memory_space<vmem>>) attributes {dimension_semantics = [#tpu.dimension_semantics<arbitrary>], iteration_bounds = array<i64: 40>, scalar_prefetch = 0 : i64, scratch_operands = 0 : i64, tpu.core_type = #tpu.core_type<tc>, window_params = [{transform_indices = @transform_0, window_bounds = array<i64: 256, 16>}, {transform_indices = @transform_1, window_bounds = array<i64: 256, 16>}, {transform_indices = @transform_2, window_bounds = array<i64: 256, 128>}, {transform_indices = @transform_3, window_bounds = array<i64: 256, 128>}, {transform_indices = @transform_4, window_bounds = array<i64: 256, 16>}]} {
    %get3A = arith.constant 0 : index
    %get3A_0 = arith.constant 0 : index
    %get3A_1 = vector.load %arg1[%get3A, %get3A_0] : memref<256x16xf32, #tpu.memory_space<vmem>>, vector<256x1xf32>
    %get3A_2 = arith.constant 0 : index
    %get3A_3 = arith.constant 0 : index
    %get3A_4 = vector.load %arg2[%get3A_2, %get3A_3] : memref<256x16xf32, #tpu.memory_space<vmem>>, vector<256x1xf32>
    %add3A = arith.addf %get3A_1, %get3A_4 : vector<256x1xf32>
    %add3A_5 = arith.constant 1.000000e+00 : f32
    %add3A_6 = vector.broadcast %add3A_5 : f32 to vector<256x1xf32>
    %add3A_7 = arith.addf %add3A, %add3A_6 : vector<256x1xf32>
    %rsqrt3A = math.rsqrt %add3A_7 : vector<256x1xf32>
    %broadcast_in_dim3A = vector.shape_cast %rsqrt3A : vector<256x1xf32> to vector<256x1xf32>
    %broadcast_in_dim3A_8 = vector.broadcast %broadcast_in_dim3A : vector<256x1xf32> to vector<256x16xf32>
    %swap3A = arith.constant 0 : index
    %swap3A_9 = arith.constant 0 : index
    %swap3A_10 = vector.load %arg5[%swap3A, %swap3A_9] : memref<256x16xf32, #tpu.memory_space<vmem>>, vector<256x16xf32>
    tpu.vector_store %arg5[%swap3A, %swap3A_9], %broadcast_in_dim3A_8 {strides = array<i32>} : memref<256x16xf32, #tpu.memory_space<vmem>>, vector<256x16xf32>,
    %get3A_11 = arith.constant 0 : index
    %get3A_12 = arith.constant 0 : index
    %get3A_13 = vector.load %arg3[%get3A_11, %get3A_12] : memref<256x128xf32, #tpu.memory_space<vmem>>, vector<256x128xf32>
    %mul3A = vector.broadcast %rsqrt3A : vector<256x1xf32> to vector<256x128xf32>
    %mul3A_14 = arith.mulf %mul3A, %get3A_13 : vector<256x128xf32>
    %swap3A_15 = arith.constant 0 : index
    %swap3A_16 = arith.constant 0 : index
    %swap3A_17 = vector.load %arg4[%swap3A_15, %swap3A_16] : memref<256x128xf32, #tpu.memory_space<vmem>>, vector<256x128xf32>
    tpu.vector_store %arg4[%swap3A_15, %swap3A_16], %mul3A_14 {strides = array<i32>} : memref<256x128xf32, #tpu.memory_space<vmem>>, vector<256x128xf32>,
    return
  }
  func.func @transform_0(%arg0: i32) -> (i32, i32) {
    %c0_i32 = arith.constant 0 : i32
    %c0_i32_0 = arith.constant 0 : i32
    return %arg0, %c0_i32 : i32, i32
  }
  func.func @transform_1(%arg0: i32) -> (i32, i32) {
    %c0_i32 = arith.constant 0 : i32
    %c0_i32_0 = arith.constant 0 : i32
    return %arg0, %c0_i32 : i32, i32
  }
  func.func @transform_2(%arg0: i32) -> (i32, i32) {
    %c0_i32 = arith.constant 0 : i32
    %c0_i32_0 = arith.constant 0 : i32
    return %arg0, %c0_i32 : i32, i32
  }
  func.func @transform_3(%arg0: i32) -> (i32, i32) {
    %c0_i32 = arith.constant 0 : i32
    %c0_i32_0 = arith.constant 0 : i32
    return %arg0, %c0_i32 : i32, i32
  }
  func.func @transform_4(%arg0: i32) -> (i32, i32) {
    %c0_i32 = arith.constant 0 : i32
    %c0_i32_0 = arith.constant 0 : i32
    return %arg0, %c0_i32 : i32, i32
  }
}

module attributes {stable_mosaic.version = 14 : i64} {
  func.func @_post_body(%arg0: i32, %arg1: memref<256x128xf32, #tpu.memory_space<vmem>>, %arg2: memref<256x128xf32, #tpu.memory_space<vmem>>, %arg3: memref<256x128xf32, #tpu.memory_space<vmem>>, %arg4: memref<256x16xf32, #tpu.memory_space<vmem>>, %arg5: memref<256x128xf32, #tpu.memory_space<vmem>>, %arg6: memref<1x128xf32, #tpu.memory_space<vmem>>, %arg7: memref<1x128xf32, #tpu.memory_space<vmem>>, %arg8: memref<128x128xf32, #tpu.memory_space<vmem>>, %arg9: memref<1x128xf32, #tpu.memory_space<vmem>>, %arg10: memref<128x128xf32, #tpu.memory_space<vmem>>, %arg11: memref<1x128xf32, #tpu.memory_space<vmem>>, %arg12: memref<128x128xf32, #tpu.memory_space<vmem>>, %arg13: memref<1x128xf32, #tpu.memory_space<vmem>>, %arg14: memref<128x128xf32, #tpu.memory_space<vmem>>, %arg15: memref<1x128xf32, #tpu.memory_space<vmem>>, %arg16: memref<128x128xf32, #tpu.memory_space<vmem>>, %arg17: memref<1x128xf32, #tpu.memory_space<vmem>>, %arg18: memref<128x128xf32, #tpu.memory_space<vmem>>, %arg19: memref<1x128xf32, #tpu.memory_space<vmem>>, %arg20: memref<128x64xf32, #tpu.memory_space<vmem>>, %arg21: memref<1x64xf32, #tpu.memory_space<vmem>>, %arg22: memref<64x2xf32, #tpu.memory_space<vmem>>, %arg23: memref<1x2xf32, #tpu.memory_space<vmem>>, %arg24: memref<256x128xf32, #tpu.memory_space<vmem>>, %arg25: memref<256x2xf32, #tpu.memory_space<vmem>>) attributes {dimension_semantics = [#tpu.dimension_semantics<arbitrary>], iteration_bounds = array<i64: 40>, scalar_prefetch = 0 : i64, scratch_operands = 0 : i64, tpu.core_type = #tpu.core_type<tc>, window_params = [{transform_indices = @transform_0, window_bounds = array<i64: 256, 128>}, {transform_indices = @transform_1, window_bounds = array<i64: 256, 128>}, {transform_indices = @transform_2, window_bounds = array<i64: 256, 128>}, {transform_indices = @transform_3, window_bounds = array<i64: 256, 16>}, {transform_indices = @transform_4, window_bounds = array<i64: 256, 128>}, {pipeline_mode = #tpu.pipeline_mode<synchronous>, transform_indices = @transform_5, window_bounds = array<i64: 1, 128>}, {pipeline_mode = #tpu.pipeline_mode<synchronous>, transform_indices = @transform_6, window_bounds = array<i64: 1, 128>}, {pipeline_mode = #tpu.pipeline_mode<synchronous>, transform_indices = @transform_7, window_bounds = array<i64: 128, 128>}, {pipeline_mode = #tpu.pipeline_mode<synchronous>, transform_indices = @transform_8, window_bounds = array<i64: 1, 128>}, {pipeline_mode = #tpu.pipeline_mode<synchronous>, transform_indices = @transform_9, window_bounds = array<i64: 128, 128>}, {pipeline_mode = #tpu.pipeline_mode<synchronous>, transform_indices = @transform_10, window_bounds = array<i64: 1, 128>}, {pipeline_mode = #tpu.pipeline_mode<synchronous>, transform_indices = @transform_11, window_bounds = array<i64: 128, 128>}, {pipeline_mode = #tpu.pipeline_mode<synchronous>, transform_indices = @transform_12, window_bounds = array<i64: 1, 128>}, {pipeline_mode = #tpu.pipeline_mode<synchronous>, transform_indices = @transform_13, window_bounds = array<i64: 128, 128>}, {pipeline_mode = #tpu.pipeline_mode<synchronous>, transform_indices = @transform_14, window_bounds = array<i64: 1, 128>}, {pipeline_mode = #tpu.pipeline_mode<synchronous>, transform_indices = @transform_15, window_bounds = array<i64: 128, 128>}, {pipeline_mode = #tpu.pipeline_mode<synchronous>, transform_indices = @transform_16, window_bounds = array<i64: 1, 128>}, {pipeline_mode = #tpu.pipeline_mode<synchronous>, transform_indices = @transform_17, window_bounds = array<i64: 128, 128>}, {pipeline_mode = #tpu.pipeline_mode<synchronous>, transform_indices = @transform_18, window_bounds = array<i64: 1, 128>}, {pipeline_mode = #tpu.pipeline_mode<synchronous>, transform_indices = @transform_19, window_bounds = array<i64: 128, 64>}, {pipeline_mode = #tpu.pipeline_mode<synchronous>, transform_indices = @transform_20, window_bounds = array<i64: 1, 64>}, {pipeline_mode = #tpu.pipeline_mode<synchronous>, transform_indices = @transform_21, window_bounds = array<i64: 64, 2>}, {pipeline_mode = #tpu.pipeline_mode<synchronous>, transform_indices = @transform_22, window_bounds = array<i64: 1, 2>}, {transform_indices = @transform_23, window_bounds = array<i64: 256, 128>}, {transform_indices = @transform_24, window_bounds = array<i64: 256, 2>}]} {
    %get3A = arith.constant 0 : index
    %get3A_0 = arith.constant 0 : index
    %get3A_1 = vector.load %arg1[%get3A, %get3A_0] : memref<256x128xf32, #tpu.memory_space<vmem>>, vector<256x128xf32>
    %get3A_2 = arith.constant 0 : index
    %get3A_3 = arith.constant 0 : index
    %get3A_4 = vector.load %arg2[%get3A_2, %get3A_3] : memref<256x128xf32, #tpu.memory_space<vmem>>, vector<256x128xf32>
    %add3A = arith.addf %get3A_1, %get3A_4 : vector<256x128xf32>
    %get3A_5 = arith.constant 0 : index
    %get3A_6 = arith.constant 0 : index
    %get3A_7 = vector.load %arg3[%get3A_5, %get3A_6] : memref<256x128xf32, #tpu.memory_space<vmem>>, vector<256x128xf32>
    %add3A_8 = arith.addf %add3A, %get3A_7 : vector<256x128xf32>
    %get3A_9 = arith.constant 0 : index
    %get3A_10 = arith.constant 0 : index
    %get3A_11 = vector.load %arg4[%get3A_9, %get3A_10] : memref<256x16xf32, #tpu.memory_space<vmem>>, vector<256x1xf32>
    %mul3A = vector.broadcast %get3A_11 : vector<256x1xf32> to vector<256x128xf32>
    %mul3A_12 = arith.mulf %mul3A, %add3A_8 : vector<256x128xf32>
    %get3A_13 = arith.constant 0 : index
    %get3A_14 = arith.constant 0 : index
    %get3A_15 = vector.load %arg7[%get3A_13, %get3A_14] : memref<1x128xf32, #tpu.memory_space<vmem>>, vector<1x128xf32>
    %add3A_16 = vector.broadcast %get3A_15 : vector<1x128xf32> to vector<256x128xf32>
    %add3A_17 = arith.addf %mul3A_12, %add3A_16 : vector<256x128xf32>
    %max3A = arith.constant 0.000000e+00 : f32
    %max3A_18 = vector.broadcast %max3A : f32 to vector<256x128xf32>
    %max3A_19 = arith.maximumf %add3A_17, %max3A_18 : vector<256x128xf32>
    %get3A_20 = arith.constant 0 : index
    %get3A_21 = arith.constant 0 : index
    %get3A_22 = vector.load %arg5[%get3A_20, %get3A_21] : memref<256x128xf32, #tpu.memory_space<vmem>>, vector<256x128xf32>
    %get3A_23 = arith.constant 0 : index
    %get3A_24 = arith.constant 0 : index
    %get3A_25 = vector.load %arg8[%get3A_23, %get3A_24] : memref<128x128xf32, #tpu.memory_space<vmem>>, vector<128x128xf32>
    %dot_general3A = arith.constant dense<0.000000e+00> : vector<256x128xf32>
    %dot_general3A_26 = tpu.matmul %max3A_19, %get3A_25, %dot_general3A {dimension_numbers = #tpu.dot_dimension_numbers<[1], [0], [0], [1], [0, 0, 1, 1], [], []>, transpose_lhs_hint = false} : vector<256x128xf32>, vector<128x128xf32>, vector<256x128xf32> -> vector<256x128xf32>
    %get3A_27 = arith.constant 0 : index
    %get3A_28 = arith.constant 0 : index
    %get3A_29 = vector.load %arg9[%get3A_27, %get3A_28] : memref<1x128xf32, #tpu.memory_space<vmem>>, vector<1x128xf32>
    %add3A_30 = vector.broadcast %get3A_29 : vector<1x128xf32> to vector<256x128xf32>
    %add3A_31 = arith.addf %dot_general3A_26, %add3A_30 : vector<256x128xf32>
    %get3A_32 = arith.constant 0 : index
    %get3A_33 = arith.constant 0 : index
    %get3A_34 = vector.load %arg10[%get3A_32, %get3A_33] : memref<128x128xf32, #tpu.memory_space<vmem>>, vector<128x128xf32>
    %dot_general3A_35 = arith.constant dense<0.000000e+00> : vector<256x128xf32>
    %dot_general3A_36 = tpu.matmul %get3A_22, %get3A_34, %dot_general3A_35 {dimension_numbers = #tpu.dot_dimension_numbers<[1], [0], [0], [1], [0, 0, 1, 1], [], []>, transpose_lhs_hint = false} : vector<256x128xf32>, vector<128x128xf32>, vector<256x128xf32> -> vector<256x128xf32>
    %add3A_37 = arith.addf %add3A_31, %dot_general3A_36 : vector<256x128xf32>
    %get3A_38 = arith.constant 0 : index
    %get3A_39 = arith.constant 0 : index
    %get3A_40 = vector.load %arg11[%get3A_38, %get3A_39] : memref<1x128xf32, #tpu.memory_space<vmem>>, vector<1x128xf32>
    %add3A_41 = vector.broadcast %get3A_40 : vector<1x128xf32> to vector<256x128xf32>
    %add3A_42 = arith.addf %add3A_37, %add3A_41 : vector<256x128xf32>
    %logistic3A = arith.negf %add3A_42 : vector<256x128xf32>
    %logistic3A_43 = math.exp %logistic3A : vector<256x128xf32>
    %logistic3A_44 = arith.constant 1.000000e+00 : f32
    %logistic3A_45 = vector.broadcast %logistic3A_44 : f32 to vector<256x128xf32>
    %logistic3A_46 = arith.addf %logistic3A_45, %logistic3A_43 : vector<256x128xf32>
    %logistic3A_47 = arith.divf %logistic3A_45, %logistic3A_46 : vector<256x128xf32>
    %get3A_48 = arith.constant 0 : index
    %get3A_49 = arith.constant 0 : index
    %get3A_50 = vector.load %arg12[%get3A_48, %get3A_49] : memref<128x128xf32, #tpu.memory_space<vmem>>, vector<128x128xf32>
    %dot_general3A_51 = arith.constant dense<0.000000e+00> : vector<256x128xf32>
    %dot_general3A_52 = tpu.matmul %max3A_19, %get3A_50, %dot_general3A_51 {dimension_numbers = #tpu.dot_dimension_numbers<[1], [0], [0], [1], [0, 0, 1, 1], [], []>, transpose_lhs_hint = false} : vector<256x128xf32>, vector<128x128xf32>, vector<256x128xf32> -> vector<256x128xf32>
    %get3A_53 = arith.constant 0 : index
    %get3A_54 = arith.constant 0 : index
    %get3A_55 = vector.load %arg13[%get3A_53, %get3A_54] : memref<1x128xf32, #tpu.memory_space<vmem>>, vector<1x128xf32>
    %add3A_56 = vector.broadcast %get3A_55 : vector<1x128xf32> to vector<256x128xf32>
    %add3A_57 = arith.addf %dot_general3A_52, %add3A_56 : vector<256x128xf32>
    %get3A_58 = arith.constant 0 : index
    %get3A_59 = arith.constant 0 : index
    %get3A_60 = vector.load %arg14[%get3A_58, %get3A_59] : memref<128x128xf32, #tpu.memory_space<vmem>>, vector<128x128xf32>
    %dot_general3A_61 = arith.constant dense<0.000000e+00> : vector<256x128xf32>
    %dot_general3A_62 = tpu.matmul %get3A_22, %get3A_60, %dot_general3A_61 {dimension_numbers = #tpu.dot_dimension_numbers<[1], [0], [0], [1], [0, 0, 1, 1], [], []>, transpose_lhs_hint = false} : vector<256x128xf32>, vector<128x128xf32>, vector<256x128xf32> -> vector<256x128xf32>
    %add3A_63 = arith.addf %add3A_57, %dot_general3A_62 : vector<256x128xf32>
    %get3A_64 = arith.constant 0 : index
    %get3A_65 = arith.constant 0 : index
    %get3A_66 = vector.load %arg15[%get3A_64, %get3A_65] : memref<1x128xf32, #tpu.memory_space<vmem>>, vector<1x128xf32>
    %add3A_67 = vector.broadcast %get3A_66 : vector<1x128xf32> to vector<256x128xf32>
    %add3A_68 = arith.addf %add3A_63, %add3A_67 : vector<256x128xf32>
    %logistic3A_69 = arith.negf %add3A_68 : vector<256x128xf32>
    %logistic3A_70 = math.exp %logistic3A_69 : vector<256x128xf32>
    %logistic3A_71 = arith.constant 1.000000e+00 : f32
    %logistic3A_72 = vector.broadcast %logistic3A_71 : f32 to vector<256x128xf32>
    %logistic3A_73 = arith.addf %logistic3A_72, %logistic3A_70 : vector<256x128xf32>
    %logistic3A_74 = arith.divf %logistic3A_72, %logistic3A_73 : vector<256x128xf32>
    %get3A_75 = arith.constant 0 : index
    %get3A_76 = arith.constant 0 : index
    %get3A_77 = vector.load %arg16[%get3A_75, %get3A_76] : memref<128x128xf32, #tpu.memory_space<vmem>>, vector<128x128xf32>
    %dot_general3A_78 = arith.constant dense<0.000000e+00> : vector<256x128xf32>
    %dot_general3A_79 = tpu.matmul %max3A_19, %get3A_77, %dot_general3A_78 {dimension_numbers = #tpu.dot_dimension_numbers<[1], [0], [0], [1], [0, 0, 1, 1], [], []>, transpose_lhs_hint = false} : vector<256x128xf32>, vector<128x128xf32>, vector<256x128xf32> -> vector<256x128xf32>
    %get3A_80 = arith.constant 0 : index
    %get3A_81 = arith.constant 0 : index
    %get3A_82 = vector.load %arg17[%get3A_80, %get3A_81] : memref<1x128xf32, #tpu.memory_space<vmem>>, vector<1x128xf32>
    %add3A_83 = vector.broadcast %get3A_82 : vector<1x128xf32> to vector<256x128xf32>
    %add3A_84 = arith.addf %dot_general3A_79, %add3A_83 : vector<256x128xf32>
    %get3A_85 = arith.constant 0 : index
    %get3A_86 = arith.constant 0 : index
    %get3A_87 = vector.load %arg18[%get3A_85, %get3A_86] : memref<128x128xf32, #tpu.memory_space<vmem>>, vector<128x128xf32>
    %dot_general3A_88 = arith.constant dense<0.000000e+00> : vector<256x128xf32>
    %dot_general3A_89 = tpu.matmul %get3A_22, %get3A_87, %dot_general3A_88 {dimension_numbers = #tpu.dot_dimension_numbers<[1], [0], [0], [1], [0, 0, 1, 1], [], []>, transpose_lhs_hint = false} : vector<256x128xf32>, vector<128x128xf32>, vector<256x128xf32> -> vector<256x128xf32>
    %get3A_90 = arith.constant 0 : index
    %get3A_91 = arith.constant 0 : index
    %get3A_92 = vector.load %arg19[%get3A_90, %get3A_91] : memref<1x128xf32, #tpu.memory_space<vmem>>, vector<1x128xf32>
    %add3A_93 = vector.broadcast %get3A_92 : vector<1x128xf32> to vector<256x128xf32>
    %add3A_94 = arith.addf %dot_general3A_89, %add3A_93 : vector<256x128xf32>
    %mul3A_95 = arith.mulf %logistic3A_47, %add3A_94 : vector<256x128xf32>
    %add3A_96 = arith.addf %add3A_84, %mul3A_95 : vector<256x128xf32>
    %tanh3A = math.tanh %add3A_96 : vector<256x128xf32>
    %sub3A = arith.constant 1.000000e+00 : f32
    %sub3A_97 = vector.broadcast %sub3A : f32 to vector<256x128xf32>
    %sub3A_98 = arith.subf %sub3A_97, %logistic3A_74 : vector<256x128xf32>
    %mul3A_99 = arith.mulf %sub3A_98, %tanh3A : vector<256x128xf32>
    %mul3A_100 = arith.mulf %logistic3A_74, %get3A_22 : vector<256x128xf32>
    %add3A_101 = arith.addf %mul3A_99, %mul3A_100 : vector<256x128xf32>
    %get3A_102 = arith.constant 0 : index
    %get3A_103 = arith.constant 0 : index
    %get3A_104 = vector.load %arg6[%get3A_102, %get3A_103] : memref<1x128xf32, #tpu.memory_space<vmem>>, vector<1x1xf32>
    %mul3A_105 = vector.broadcast %get3A_104 : vector<1x1xf32> to vector<256x128xf32>
    %mul3A_106 = arith.mulf %mul3A_105, %max3A_19 : vector<256x128xf32>
    %sub3A_107 = arith.constant 1.000000e+00 : f32
    %sub3A_108 = vector.broadcast %sub3A_107 : f32 to vector<1x1xf32>
    %sub3A_109 = arith.subf %sub3A_108, %get3A_104 : vector<1x1xf32>
    %mul3A_110 = vector.broadcast %sub3A_109 : vector<1x1xf32> to vector<256x128xf32>
    %mul3A_111 = arith.mulf %mul3A_110, %add3A_101 : vector<256x128xf32>
    %add3A_112 = arith.addf %mul3A_106, %mul3A_111 : vector<256x128xf32>
    %swap3A = arith.constant 0 : index
    %swap3A_113 = arith.constant 0 : index
    %swap3A_114 = vector.load %arg24[%swap3A, %swap3A_113] : memref<256x128xf32, #tpu.memory_space<vmem>>, vector<256x128xf32>
    tpu.vector_store %arg24[%swap3A, %swap3A_113], %add3A_112 {strides = array<i32>} : memref<256x128xf32, #tpu.memory_space<vmem>>, vector<256x128xf32>,
    %get3A_115 = arith.constant 0 : index
    %get3A_116 = arith.constant 0 : index
    %get3A_117 = vector.load %arg20[%get3A_115, %get3A_116] : memref<128x64xf32, #tpu.memory_space<vmem>>, vector<128x64xf32>
    %dot_general3A_118 = arith.constant dense<0.000000e+00> : vector<256x64xf32>
    %dot_general3A_119 = tpu.matmul %add3A_112, %get3A_117, %dot_general3A_118 {dimension_numbers = #tpu.dot_dimension_numbers<[1], [0], [0], [1], [0, 0, 1, 1], [], []>, transpose_lhs_hint = false} : vector<256x128xf32>, vector<128x64xf32>, vector<256x64xf32> -> vector<256x64xf32>
    %get3A_120 = arith.constant 0 : index
    %get3A_121 = arith.constant 0 : index
    %get3A_122 = vector.load %arg21[%get3A_120, %get3A_121] : memref<1x64xf32, #tpu.memory_space<vmem>>, vector<1x64xf32>
    %add3A_123 = vector.broadcast %get3A_122 : vector<1x64xf32> to vector<256x64xf32>
    %add3A_124 = arith.addf %dot_general3A_119, %add3A_123 : vector<256x64xf32>
    %max3A_125 = arith.constant 0.000000e+00 : f32
    %max3A_126 = vector.broadcast %max3A_125 : f32 to vector<256x64xf32>
    %max3A_127 = arith.maximumf %add3A_124, %max3A_126 : vector<256x64xf32>
    %get3A_128 = arith.constant 0 : index
    %get3A_129 = arith.constant 0 : index
    %get3A_130 = vector.load %arg22[%get3A_128, %get3A_129] : memref<64x2xf32, #tpu.memory_space<vmem>>, vector<64x2xf32>
    %dot_general3A_131 = arith.constant dense<0.000000e+00> : vector<256x2xf32>
    %dot_general3A_132 = tpu.matmul %max3A_127, %get3A_130, %dot_general3A_131 {dimension_numbers = #tpu.dot_dimension_numbers<[1], [0], [0], [1], [0, 0, 1, 1], [], []>, transpose_lhs_hint = false} : vector<256x64xf32>, vector<64x2xf32>, vector<256x2xf32> -> vector<256x2xf32>
    %get3A_133 = arith.constant 0 : index
    %get3A_134 = arith.constant 0 : index
    %get3A_135 = vector.load %arg23[%get3A_133, %get3A_134] : memref<1x2xf32, #tpu.memory_space<vmem>>, vector<1x2xf32>
    %add3A_136 = vector.broadcast %get3A_135 : vector<1x2xf32> to vector<256x2xf32>
    %add3A_137 = arith.addf %dot_general3A_132, %add3A_136 : vector<256x2xf32>
    %swap3A_138 = arith.constant 0 : index
    %swap3A_139 = arith.constant 0 : index
    %swap3A_140 = vector.load %arg25[%swap3A_138, %swap3A_139] : memref<256x2xf32, #tpu.memory_space<vmem>>, vector<256x2xf32>
    tpu.vector_store %arg25[%swap3A_138, %swap3A_139], %add3A_137 {strides = array<i32>} : memref<256x2xf32, #tpu.memory_space<vmem>>, vector<256x2xf32>,
    return
  }
  func.func @transform_0(%arg0: i32) -> (i32, i32) {
    %c0_i32 = arith.constant 0 : i32
    %c0_i32_0 = arith.constant 0 : i32
    return %arg0, %c0_i32 : i32, i32
  }
  func.func @transform_1(%arg0: i32) -> (i32, i32) {
    %c0_i32 = arith.constant 0 : i32
    %c0_i32_0 = arith.constant 0 : i32
    return %arg0, %c0_i32 : i32, i32
  }
  func.func @transform_2(%arg0: i32) -> (i32, i32) {
    %c0_i32 = arith.constant 0 : i32
    %c0_i32_0 = arith.constant 0 : i32
    return %arg0, %c0_i32 : i32, i32
  }
  func.func @transform_3(%arg0: i32) -> (i32, i32) {
    %c0_i32 = arith.constant 0 : i32
    %c0_i32_0 = arith.constant 0 : i32
    return %arg0, %c0_i32 : i32, i32
  }
  func.func @transform_4(%arg0: i32) -> (i32, i32) {
    %c0_i32 = arith.constant 0 : i32
    %c0_i32_0 = arith.constant 0 : i32
    return %arg0, %c0_i32 : i32, i32
  }
  func.func @transform_5(%arg0: i32) -> (i32, i32) {
    %c0_i32 = arith.constant 0 : i32
    %c0_i32_0 = arith.constant 0 : i32
    %c0_i32_1 = arith.constant 0 : i32
    return %c0_i32, %c0_i32_0 : i32, i32
  }
  func.func @transform_6(%arg0: i32) -> (i32, i32) {
    %c0_i32 = arith.constant 0 : i32
    %c0_i32_0 = arith.constant 0 : i32
    %c0_i32_1 = arith.constant 0 : i32
    return %c0_i32, %c0_i32_0 : i32, i32
  }
  func.func @transform_7(%arg0: i32) -> (i32, i32) {
    %c0_i32 = arith.constant 0 : i32
    %c0_i32_0 = arith.constant 0 : i32
    %c0_i32_1 = arith.constant 0 : i32
    return %c0_i32, %c0_i32_0 : i32, i32
  }
  func.func @transform_8(%arg0: i32) -> (i32, i32) {
    %c0_i32 = arith.constant 0 : i32
    %c0_i32_0 = arith.constant 0 : i32
    %c0_i32_1 = arith.constant 0 : i32
    return %c0_i32, %c0_i32_0 : i32, i32
  }
  func.func @transform_9(%arg0: i32) -> (i32, i32) {
    %c0_i32 = arith.constant 0 : i32
    %c0_i32_0 = arith.constant 0 : i32
    %c0_i32_1 = arith.constant 0 : i32
    return %c0_i32, %c0_i32_0 : i32, i32
  }
  func.func @transform_10(%arg0: i32) -> (i32, i32) {
    %c0_i32 = arith.constant 0 : i32
    %c0_i32_0 = arith.constant 0 : i32
    %c0_i32_1 = arith.constant 0 : i32
    return %c0_i32, %c0_i32_0 : i32, i32
  }
  func.func @transform_11(%arg0: i32) -> (i32, i32) {
    %c0_i32 = arith.constant 0 : i32
    %c0_i32_0 = arith.constant 0 : i32
    %c0_i32_1 = arith.constant 0 : i32
    return %c0_i32, %c0_i32_0 : i32, i32
  }
  func.func @transform_12(%arg0: i32) -> (i32, i32) {
    %c0_i32 = arith.constant 0 : i32
    %c0_i32_0 = arith.constant 0 : i32
    %c0_i32_1 = arith.constant 0 : i32
    return %c0_i32, %c0_i32_0 : i32, i32
  }
  func.func @transform_13(%arg0: i32) -> (i32, i32) {
    %c0_i32 = arith.constant 0 : i32
    %c0_i32_0 = arith.constant 0 : i32
    %c0_i32_1 = arith.constant 0 : i32
    return %c0_i32, %c0_i32_0 : i32, i32
  }
  func.func @transform_14(%arg0: i32) -> (i32, i32) {
    %c0_i32 = arith.constant 0 : i32
    %c0_i32_0 = arith.constant 0 : i32
    %c0_i32_1 = arith.constant 0 : i32
    return %c0_i32, %c0_i32_0 : i32, i32
  }
  func.func @transform_15(%arg0: i32) -> (i32, i32) {
    %c0_i32 = arith.constant 0 : i32
    %c0_i32_0 = arith.constant 0 : i32
    %c0_i32_1 = arith.constant 0 : i32
    return %c0_i32, %c0_i32_0 : i32, i32
  }
  func.func @transform_16(%arg0: i32) -> (i32, i32) {
    %c0_i32 = arith.constant 0 : i32
    %c0_i32_0 = arith.constant 0 : i32
    %c0_i32_1 = arith.constant 0 : i32
    return %c0_i32, %c0_i32_0 : i32, i32
  }
  func.func @transform_17(%arg0: i32) -> (i32, i32) {
    %c0_i32 = arith.constant 0 : i32
    %c0_i32_0 = arith.constant 0 : i32
    %c0_i32_1 = arith.constant 0 : i32
    return %c0_i32, %c0_i32_0 : i32, i32
  }
  func.func @transform_18(%arg0: i32) -> (i32, i32) {
    %c0_i32 = arith.constant 0 : i32
    %c0_i32_0 = arith.constant 0 : i32
    %c0_i32_1 = arith.constant 0 : i32
    return %c0_i32, %c0_i32_0 : i32, i32
  }
  func.func @transform_19(%arg0: i32) -> (i32, i32) {
    %c0_i32 = arith.constant 0 : i32
    %c0_i32_0 = arith.constant 0 : i32
    %c0_i32_1 = arith.constant 0 : i32
    return %c0_i32, %c0_i32_0 : i32, i32
  }
  func.func @transform_20(%arg0: i32) -> (i32, i32) {
    %c0_i32 = arith.constant 0 : i32
    %c0_i32_0 = arith.constant 0 : i32
    %c0_i32_1 = arith.constant 0 : i32
    return %c0_i32, %c0_i32_0 : i32, i32
  }
  func.func @transform_21(%arg0: i32) -> (i32, i32) {
    %c0_i32 = arith.constant 0 : i32
    %c0_i32_0 = arith.constant 0 : i32
    %c0_i32_1 = arith.constant 0 : i32
    return %c0_i32, %c0_i32_0 : i32, i32
  }
  func.func @transform_22(%arg0: i32) -> (i32, i32) {
    %c0_i32 = arith.constant 0 : i32
    %c0_i32_0 = arith.constant 0 : i32
    %c0_i32_1 = arith.constant 0 : i32
    return %c0_i32, %c0_i32_0 : i32, i32
  }
  func.func @transform_23(%arg0: i32) -> (i32, i32) {
    %c0_i32 = arith.constant 0 : i32
    %c0_i32_0 = arith.constant 0 : i32
    return %arg0, %c0_i32 : i32, i32
  }
  func.func @transform_24(%arg0: i32) -> (i32, i32) {
    %c0_i32 = arith.constant 0 : i32
    %c0_i32_0 = arith.constant 0 : i32
    return %arg0, %c0_i32 : i32, i32
  }
}

</mosaic_0001>

<sc_bundles>
// kernel: kernel.10.cloned.1.call-start
scs
__scs_entry_jumppad:
0x0: {  	(pc) =	sbr.rel $0x88, $3  }
0x1: {  	(tag) =	ssettag $0x0;
	lr =	simm.s32 $0x1  }
0x2: {  	[smem:$0x3F8B] =	sst lr;
	_ =	strace $0xD0000000  }
0x3: {  	_ = 	snop  }
0x4: {  	_ = 	snop  }
0x5: {  	_ = 	snop  }
0x6: {  	_ = 	snop  }
0x7: {  	_ = 	snop  }
__scs_overlays_trampoline_lowered:
0x8: {  	[smem:$0x3F9A] =	sst s0  }
0x9: {  	[smem:$0x3F9B] =	sst s1  }
0xa: {  	[smem:$0x3F9C] =	sst s2  }
0xb: {  	[smem:$0x3F9D] =	sst s3  }
0xc: {  	[smem:$0x3F9E] =	sst s4  }
0xd: {  	[smem:$0x3F9F] =	sst s5  }
0xe: {  	[smem:$0x3FA0] =	sst s6  }
0xf: {  	[smem:$0x3FA1] =	sst s7  }
0x10: {  	[smem:$0x3FA2] =	sst s8  }
0x11: {  	[smem:$0x3FA3] =	sst s9;
	s0 =	simm.s32 @!p0 $0x0  }
0x12: {  	s1 =	sld [smem:$0x3F89];
	s0 =	simm.s32 @p0 $0x1  }
0x13: {  	[smem:$0x3FA4] =	sst s0;
	s0 =	simm.s32 @!p1 $0x0  }
0x14: {  	s2 =	sld [smem:$0x3F88];
	s0 =	simm.s32 @p1 $0x1  }
0x15: {  	[smem:$0x3FA5] =	sst s0;
	s0 =	simm.s32 @!p2 $0x0  }
0x16: {  	s3 =	sld [smem:$0x3FDB];
	s0 =	simm.s32 @p2 $0x1  }
0x17: {  	s4 =	simm.s32 $0x1BF5;
	[smem:$0x3FA7] =	sst s0  }
0x18: {  	s0 =	sld [smem:$0x3F8A];
	_ =	swait.ge [sflag:s4], $0x0  }
0x19: {  	s7 =	sld [smem:$0x3F8B]  }
0x1a: {  	s8 =	sadd.s32 $0xFFFFE003, lr  }
0x1b: {  	s9 =	sadd.s32 $0xFFFFFEF7, lr;
	s5 =	simm.s32 $0xFFFFFFFF;
	p2 =	slt.u32 s8, $0xFFFFF086  }
0x1c: {  	p1 =	slt.u32 s9, $0xF7A;
	s5 =	simm.s32 @!p2 $0x0  }
0x1d: {  	s5 =	simm.s32 @p1 $0x1;
	p0 =	seq.s32 s7, s2  }
0x1e: {  	s7 =	smul.u32 @!p0 $0xF7A, s2;
	p2 =	seq.s32 @!p0 s5, $0x0  }
0x1f: {  	s9 =	smul.u32 $0xF7A, s1;
	s8 =	simm.s32 @!p0 $0x1BF5;
	p2 =	por !p2, p0  }
0x20: {  	[sflag:s8] =	ssyncset.s32 @!p0 $0xFFFFF086;
	s6 =	sadd.s32 @!p0 s3, s7;
	s7 =	simm.s32 @!p0 $0x108  }
0x21: {  	s3 =	sadd.s32 s3, s9;
	s6 =	sadd.s32 @!p0 $0x88, s6;
	s7 =	simm.s32 @p2 $0x1082  }
0x22: {  	[simem:s7], [sflag:s8] =	dma.local @!p0 [hbm:s6], $0xF7A  }
0x23: {  	s9 =	sor.u32 $0xD0000000, s2;
	s6 =	simm.s32 $0x108;
	_ =	swait.ge @!p0 [sflag:s8], $0x0  }
0x24: {  	s3 =	sadd.s32 $0x88, s3;
	s6 =	simm.s32 @!p1 $0x1082;
	[sflag:s4] =	ssyncset.s32 $0xFFFFF086  }
0x25: {  	[simem:s6], [sflag:s4] =	dma.local [hbm:s3], $0xF7A  }
0x26: {  	[smem:$0x3F8B] =	sst s1;
	(tag) =	ssettag s2;
	_ =	strace s9  }
0x27: {  	s1 =	sld [smem:$0x3F9B]  }
0x28: {  	s2 =	sld [smem:$0x3F9C]  }
0x29: {  	s4 =	sld [smem:$0x3F9E]  }
0x2a: {  	p0 =	seq.s32 s5, $0x0;
	s5 =	sld [smem:$0x3F9F]  }
0x2b: {  	s6 =	sld [smem:$0x3FA0]  }
0x2c: {  	s7 =	sld [smem:$0x3FA1]  }
0x2d: {  	s3 =	simm.s32 $0x108;
	s8 =	sld [smem:$0x3FA2]  }
0x2e: {  	s3 =	simm.s32 @!p0 $0x1082;
	s9 =	sld [smem:$0x3FA3]  }
0x2f: {  	lr =	sadd.s32 s0, s3;
	s0 =	sld [smem:$0x3F9A]  }
0x30: {  	s3 =	sld [smem:$0x3F9D]  }
0x31: {  	[smem:$0x3FA6] =	sst s10  }
0x32: {  	s10 =	sld [smem:$0x3FA4];
	_ =	sdelay $0x3  }
0x33: {  	p0 =	seq.s32 s10, $0x1;
	s10 =	sld [smem:$0x3FA6];
	_ =	sdelay $0x3  }
0x34: {  	[smem:$0x3FA6] =	sst s10  }
0x35: {  	s10 =	sld [smem:$0x3FA5];
	_ =	sdelay $0x3  }
0x36: {  	p1 =	seq.s32 s10, $0x1;
	s10 =	sld [smem:$0x3FA6];
	_ =	sdelay $0x3  }
0x37: {  	[smem:$0x3FA6] =	sst s10  }
0x38: {  	s10 =	sld [smem:$0x3FA7]  }
0x39: {  	_ = 	snop;
	(pc) =	sbr.ind lr, $3  }
0x3a: {  	_ = 	snop  }
0x3b: {  	_ = 	snop  }
0x3c: {  	p2 =	seq.s32 s10, $0x1;
	s10 =	sld [smem:$0x3FA6]  }
0x3d: {  	_ =	shalt  }
0x3e: {  	_ =	shalt  }
0x3f: {  	_ =	shalt  }
0x40: {  	_ =	shalt  }
0x41: {  	_ =	shalt  }
0x42: {  	_ =	shalt  }
0x43: {  	_ =	shalt  }
0x44: {  	_ =	shalt  }
0x45: {  	_ =	shalt  }
0x46: {  	_ =	shalt  }
0x47: {  	_ =	shalt  }
0x48: {  	_ =	shalt  }
0x49: {  	_ =	shalt  }
0x4a: {  	_ =	shalt  }
0x4b: {  	_ =	shalt  }
0x4c: {  	_ =	shalt  }
0x4d: {  	_ =	shalt  }
0x4e: {  	_ =	shalt  }
0x4f: {  	_ =	shalt  }
0x50: {  	_ =	shalt  }
0x51: {  	_ =	shalt  }
0x52: {  	_ =	shalt  }
0x53: {  	_ =	shalt  }
0x54: {  	_ =	shalt  }
0x55: {  	_ =	shalt  }
0x56: {  	_ =	shalt  }
0x57: {  	_ =	shalt  }
0x58: {  	_ =	shalt  }
0x59: {  	_ =	shalt  }
0x5a: {  	_ =	shalt  }
0x5b: {  	_ =	shalt  }
0x5c: {  	_ =	shalt  }
0x5d: {  	_ =	shalt  }
0x5e: {  	_ =	shalt  }
0x5f: {  	_ =	shalt  }
0x60: {  	_ =	shalt  }
0x61: {  	_ =	shalt  }
0x62: {  	_ =	shalt  }
0x63: {  	_ =	shalt  }
0x64: {  	_ =	shalt  }
0x65: {  	_ =	shalt  }
0x66: {  	_ =	shalt  }
0x67: {  	_ =	shalt  }
0x68: {  	_ =	shalt  }
0x69: {  	_ =	shalt  }
0x6a: {  	_ =	shalt  }
0x6b: {  	_ =	shalt  }
0x6c: {  	_ =	shalt  }
0x6d: {  	_ =	shalt  }
0x6e: {  	_ =	shalt  }
0x6f: {  	_ =	shalt  }
0x70: {  	_ =	shalt  }
0x71: {  	_ =	shalt  }
0x72: {  	_ =	shalt  }
0x73: {  	_ =	shalt  }
0x74: {  	_ =	shalt  }
0x75: {  	_ =	shalt  }
0x76: {  	_ =	shalt  }
0x77: {  	_ =	shalt  }
0x78: {  	_ =	shalt  }
0x79: {  	_ =	shalt  }
0x7a: {  	_ =	shalt  }
0x7b: {  	_ =	shalt  }
0x7c: {  	_ =	shalt  }
0x7d: {  	_ =	shalt  }
0x7e: {  	_ =	shalt  }
0x7f: {  	_ =	shalt  }
0x80: {  	_ =	shalt  }
0x81: {  	_ =	shalt  }
0x82: {  	_ =	shalt  }
0x83: {  	_ =	shalt  }
0x84: {  	_ =	shalt  }
0x85: {  	_ =	shalt  }
0x86: {  	_ =	shalt  }
0x87: {  	_ =	shalt  }
.Lfunc_end0:
.L_simem_size_0:
called_computation.1_lowered:
.L_overlay_start_0:
0x88: {  	s2 =	sld [smem:$0x3FD9]  }
0x89: {  	s3 =	sld [smem:$0x3FFE];
	_ =	sdelay $0x1  }
0x8a: {  	s1 =	srdreg.scid  }
0x8b: {  	s0 =	sand.u32 $0x1, s1  }
0x8c: {  	s14 =	sshll.u32 s0, $0xA;
	s2 =	sadd.s32 s3, s2  }
0x8d: {  	s2 =	sadd.s32 s2, s14  }
0x8e: {  	[smem:$0x3FB2] =	sst s2  }
0x8f: {  	_ = 	snop  }
0x90: {  	s2 =	sld [smem:$0x3FD0];
	_ =	sdelay $0x2  }
0x91: {  	s15 =	simm.s32 $0xA;
	s4 =	simm.s32 $0x10  }
0x92: {  	[smem:s4], [sflag:s15] =	dma.local [hbm:s2], $0x1  }
0x93: {  	_ =	swait.eq [sflag:s15], $0x1  }
0x94: {  	[sflag:s15] =	ssyncset.done $0x0  }
0x95: {  	s16 =	sld [smem:$0x10];
	[sflag:s15] =	ssyncadd.s32 $0xFFFFFFFF  }
0x96: {  	s17 =	sld [smem:$0x11];
	(tm) =	ssettm $0x1  }
0x97: {  	s18 =	sld [smem:$0x3FFB];
	_ =	sdelay $0x3  }
0x98: {  	_ =	strace s18  }
0x99: {  	s4 =	sld [smem:$0x3FFC];
	_ =	sdelay $0x3  }
0x9a: {  	_ =	strace s4  }
0x9b: {  	s4 =	sld [smem:$0x3FFD];
	_ =	sdelay $0x3  }
0x9c: {  	_ =	strace s4  }
0x9d: {  	_ =	strace $0x8FFFFFFF  }
0x9e: {  	s19 =	sld [smem:$0x3FDB];
	_ =	sdelay $0x1  }
0x9f: {  	s5 =	simm.s32 $_scs_section_size  }
0xa0: {  	s6 =	simm.s32 $_size__tile_overlayer_lowered;
	s7 =	simm.s32 $_tile_overlayer_lowered  }
0xa1: {  	s22 =	simm.s32 $0x1BFF;
	s21 =	sshll.u32 s7, $0x1;
	s4 =	sadd.s32 s5, s19  }
0xa2: {  	s8 =	simm.s32 $0x0;
	s20 =	sshll.u32 s6, $0x1;
	s6 =	sadd.s32 s21, s4  }
0xa3: {  	[timem:s8], [sflag:s22] =	dma.local [hbm:s6], s20  }
0xa4: {  	_ =	swait.ge [sflag:s22], s20  }
0xa5: {  	s5 =	ssub.s32 $0x0, s20;
	[sflag:s22] =	ssyncset.done $0x0  }
0xa6: {  	[sflag:s22] =	ssyncadd.s32 s5;
	_ =	sdelay $0x1  }
0xa7: {  	s23 =	simm.s32 $0x1B8B  }
0xa8: {  	_ =	swait.ge [sflag:s23], $0x1  }
0xa9: {  	[sflag:s23] =	ssyncset.done $0x0  }
0xaa: {  	s25 =	simm.s32 $0x1B8E;
	s24 =	sld [smem:$0x3FFE];
	[sflag:s23] =	ssyncadd.s32 $0xFFFFFFFF  }
0xab: {  	s26 =	simm.s32 $execute0_lowered;
	[smem:$0x3FD2] =	sst s25  }
0xac: {  	s6 =	sshll.u32 s26, $0x1;
	_ =	strace $0x80000049;
	[dreg:$0x1] =	wrdreg $0xFFFFFFFF  }
0xad: {  	s28 =	simm.s32 $_size_execute0_lowered;
	s4 =	sadd.s32 s4, s6;
	[dreg:$0x0] =	wrdreg $0x0  }
0xae: {  	s6 =	sshll.u32 s28, $0x1;
	[dreg:$0x2] =	wrdreg s4  }
0xaf: {  	[dreg:$0x3] =	wrdreg s6  }
0xb0: {  	[dreg:$0x4] =	wrdreg $0xC0  }
0xb1: {  	_ =	task [dreg:s8], $0x5FFFF  }
0xb2: {  	[dreg:$0x1] =	wrdreg $0xFFFFFFFF  }
0xb3: {  	[dreg:$0x0] =	wrdreg $0x60  }
0xb4: {  	[dreg:$0x2] =	wrdreg s24  }
0xb5: {  	[dreg:$0x3] =	wrdreg s17  }
0xb6: {  	[dreg:$0x4] =	wrdreg s16  }
0xb7: {  	[dreg:$0x5] =	wrdreg $0xA0000  }
0xb8: {  	[dreg:$0x6] =	wrdreg $0x9  }
0xb9: {  	_ =	task.clear_ibuf [dreg:s8], $0x7FFFF;
	_ =	strace $0x90000049  }
0xba: {  	s29 =	simm.s32 $0x9;
	_ =	strace $0x8000004B  }
0xbb: {  	_ =	swait.ge [sflag:s29], $0x1  }
0xbc: {  	[sflag:s29] =	ssyncadd.s32 $0xFFFFFFFF  }
0xbd: {  	_ =	strace $0x9000004B  }
0xbe: {  	_ =	sfence  }
0xbf: {  	s30 =	sld [smem:$0x0];
	_ =	sdelay $0x2  }
0xc0: {  	s31 =	sshll.u32 s1, $0xD;
	s1 =	sshrl.u32 s1, $0x2  }
0xc1: {  	s3 =	sand.u32 $0x4000, s31;
	s1 =	sadd.s32 s1, s30  }
0xc2: {  	s0 =	sor.u32 s3, s0;
	s1 =	sshll.u32 s1, $0x11  }
0xc3: {  	s0 =	sor.u32 s1, s0  }
0xc4: {  	s0 =	sadd.s32 $0x8F2B, s0  }
0xc5: {  	[sflag:s0] =	ssyncadd.remote.s32 $0x1  }
0xc6: {  	_ =	sfence.sel $0xFFFF  }
0xc7: {  	[dreg:$0x0] =	wrdreg $0xFFFFFFFF;
	(pc) =	sbr.abs _section_cstart, $3  }
0xc8: {  	[dreg:$0x1] =	wrdreg $0xFFFFFFFF  }
0xc9: {  	_ =	task.clear_ibuf [dreg:s8], $0x2FFFF;
	_ =	strace $0x9FFFFFFF  }
0xca: {  	(tm) =	ssettm $0x7FFFFFFF  }
0xcb: {  	_ =	shalt  }
tec
execute0_lowered:
.L_overlay_start_1:
0x0: {  	(tag) =	ssettag $0x1  }
0x1: {  	s0 =	rddreg [dreg:$0x0]  }
0x2: {  	s1 =	rddreg [dreg:$0x1]  }
0x3: {  	s2 =	rddreg [dreg:$0x2]  }
0x4: {  	s3 =	rddreg [dreg:$0x3];
	s4 =	simm.s32 $0x0  }
0x5: {  	s5 =	srdreg.scid;
	s13 =	stileid.u32;
	s30 =	simm.s32 $0x4  }
0x6: {  	s31 =	simm.s32 $0x80;
	s28 =	simm.s32 $0x2;
	s29 =	simm.s32 $0x0  }
0x7: {  	[smem:$0x7FF] =	sst s4;
	s5 =	sand.u32 $0x1, s5;
	s10 =	smul.u32 $0x50000, s13  }
0x8: {  	s6 =	sadd.s32 $0x4400, s0;
	s7 =	sadd.s32 $0xE400, s0;
	s11 =	smul.u32 $0x14000, s13  }
0x9: {  	s0 =	sadd.s32 $0x5E400, s0;
	s17 =	sshll.u32 s13, $0x6;
	s13 =	smul.u32 $0x500, s13  }
0xa: {  	_ =	strace $0x8000004A;
	s8 =	ssub.s32 $0x2, s5;
	p0 =	seq.s32 s5, $0x0  }
0xb: {  	s5 =	smul.u32 $0x140000, s5;
	s9 =	sshrl.u32 s8, $0x1;
	s16 =	sshrl.u32 s10, $0x2  }
0xc: {  	s18 =	sadd.s32 $0x4000, s11;
	s12 =	sadd.s32 $0x8000, s11;
	s20 =	sadd.s32 $0xC000, s11  }
0xd: {  	s21 =	sadd.s32 $0x10000, s11;
	s8 =	ssub.s32 s8, s9;
	s9 =	sadd.s32 s16, s3  }
0xe: {  	s14 =	sadd.s32 s18, s3;
	s19 =	sadd.s32 s12, s3;
	[dreg:$0x5] =	wrdreg s9  }
0xf: {  	s15 =	sadd.s32 s20, s3;
	s16 =	sadd.s32 $0x5000, s13;
	[dreg:$0x6] =	wrdreg s14  }
0x10: {  	s11 =	sadd.s32 s11, s5;
	s10 =	sadd.s32 s5, s18;
	[dreg:$0x7] =	wrdreg s19  }
0x11: {  	s12 =	sadd.s32 s5, s12;
	s9 =	sor.u32 $0x1C04, s17;
	[dreg:$0x8] =	wrdreg s15  }
0x12: {  	s17 =	sadd.s32 s21, s3;
	s16 =	smov.u32 @p0 s13;
	s14 =	sadd.s32 s5, s20  }
0x13: {  	s5 =	sadd.s32 s5, s21;
	s11 =	sshrl.u32 s11, $0x3;
	s10 =	sshrl.u32 s10, $0x3  }
0x14: {  	s25 =	sshrl.u32 s12, $0x3;
	[dreg:$0x9] =	wrdreg s17;
	s13 =	sadd.s32 s6, s16  }
0x15: {  	s22 =	sadd.s32 s1, s16;
	s23 =	sadd.s32 $0x100, s16;
	[dreg:$0xa] =	wrdreg s13  }
0x16: {  	s11 =	sadd.s32 s0, s11;
	s10 =	sadd.s32 s0, s10;
	[dreg:$0xb] =	wrdreg s22  }
0x17: {  	s26 =	sshrl.u32 s14, $0x3;
	s5 =	sshrl.u32 s5, $0x3;
	[dreg:$0xe] =	wrdreg s11  }
0x18: {  	s24 =	sadd.s32 s6, s23;
	s13 =	sadd.s32 s1, s23;
	[dreg:$0xf] =	wrdreg s10  }
0x19: {  	s10 =	sadd.s32 s0, s25;
	s21 =	sadd.s32 s0, s26;
	s22 =	sadd.s32 s0, s5  }
0x1a: {  	s23 =	smax.u32 s8, $0x1;
	s25 =	simm.s32 $0x5;
	[dreg:$0xc] =	wrdreg s24  }
0x1b: {  	s0 =	simm.s32 $0x2000;
	s5 =	simm.s32 $0x1;
	[dreg:$0xd] =	wrdreg s13  }
0x1c: {  	s26 =	simm.s32 $0x6000;
	[dreg:$0x10] =	wrdreg s10;
	s24 =	sadd.s32 $0x200, s16  }
.LBB2_1:
0x1d: {  	s8 =	rddreg [dreg:$0x5]  }
0x1e: {  	s8 =	sshrl.u32 s8, $0x3  }
0x1f: {  	[spmem:s8], [sflag:s9] =	dma.local [hbm:s2], $0x800  }
0x20: {  	s10 =	rddreg [dreg:$0x6]  }
0x21: {  	s10 =	sshrl.u32 s10, $0x3  }
0x22: {  	[spmem:s10], [sflag:s9] =	dma.local [hbm:s2], $0x800  }
0x23: {  	s11 =	rddreg [dreg:$0x7]  }
0x24: {  	s11 =	sshrl.u32 s11, $0x3  }
0x25: {  	[spmem:s11], [sflag:s9] =	dma.local [hbm:s2], $0x800  }
0x26: {  	s12 =	rddreg [dreg:$0x8]  }
0x27: {  	s12 =	sshrl.u32 s12, $0x3  }
0x28: {  	[spmem:s12], [sflag:s9] =	dma.local [hbm:s2], $0x800  }
0x29: {  	s13 =	rddreg [dreg:$0x9]  }
0x2a: {  	s13 =	sshrl.u32 s13, $0x3  }
0x2b: {  	[spmem:s13], [sflag:s9] =	dma.local [hbm:s2], $0x800  }
0x2c: {  	s14 =	rddreg [dreg:$0xa]  }
0x2d: {  	[tilespmem:s4], [sflag:$0x5] =	stream.linear.gather [hbm4b:s14+s4], $0x800, $0x38;
	[tilespmem:$0x1E000] =	vst v63  }
0x2e: {  	_ =	swait.ge [sflag:s25], $0x800  }
0x2f: {  	[sflag:s25] =	ssyncset.done $0x0  }
0x30: {  	s15 =	simm.s32 $0x1000;
	s18 =	rddreg [dreg:$0xb];
	[sflag:s25] =	ssyncadd.s32 $0xFFFFF800  }
0x31: {  	[tilespmem:s15], [sflag:$0x5] =	stream.linear.gather [hbm4b:s18+s4], $0x800, $0x38;
	[tilespmem:$0x1E000] =	vst v63  }
0x32: {  	_ =	swait.ge [sflag:s25], $0x800  }
0x33: {  	[sflag:s25] =	ssyncset.done $0x0  }
0x34: {  	s20 =	simm.s32 $0x800;
	s19 =	rddreg [dreg:$0xc];
	[sflag:s25] =	ssyncadd.s32 $0xFFFFF800  }
0x35: {  	[tilespmem:s20], [sflag:$0x3] =	stream.linear.gather [hbm4b:s19+s4], $0x800, $0x38;
	[tilespmem:$0x1E000] =	vst v63  }
0x36: {  	s17 =	simm.s32 $0x1800;
	s16 =	rddreg [dreg:$0xd]  }
0x37: {  	[tilespmem:s17], [sflag:$0x3] =	stream.linear.gather [hbm4b:s16+s4], $0x800, $0x38;
	[tilespmem:$0x1E000] =	vst v63  }
0x38: {  	_ =	swait.ge [sflag:s30], $0x800  }
0x39: {  	[sflag:s30] =	ssyncset.done $0x0  }
0x3a: {  	[sflag:s30] =	ssyncadd.s32 $0xFFFFF800  }
0x3b: {  	_ =	swait.ge [sflag:s30], $0x800  }
0x3c: {  	[sflag:s30] =	ssyncset.done $0x0  }
0x3d: {  	[sflag:s30] =	ssyncadd.s32 $0xFFFFF800  }
0x3e: {  	_ =	swait.ge [sflag:s30], $0x800  }
0x3f: {  	[sflag:s30] =	ssyncset.done $0x0  }
0x40: {  	[sflag:s30] =	ssyncadd.s32 $0xFFFFF800  }
0x41: {  	_ =	swait.ge [sflag:s30], $0x800  }
0x42: {  	[sflag:s30] =	ssyncset.done $0x0  }
0x43: {  	[sflag:s30] =	ssyncadd.s32 $0xFFFFF800  }
0x44: {  	_ =	swait.ge [sflag:s30], $0x800  }
0x45: {  	[sflag:s30] =	ssyncset.done $0x0  }
0x46: {  	[sflag:s30] =	ssyncadd.s32 $0xFFFFF800  }
0x47: {  	[bflag:$0x0] =	sbarrier.arrive $0xFFFF  }
0x48: {  	[tilespmem:s0], [sflag:$0x1] =	stream.indirect.gather [hbm4b:s7+s31], $0x80, s4, s31, $0xb8;
	[tilespmem:$0x1E000] =	vst v63  }
0x49: {  	_ =	swait.ge [sflag:s5], $0x4000  }
0x4a: {  	s18 =	sand.u32 $0xF00, s4;
	[sflag:s5] =	ssyncset.done $0x0  }
0x4b: {  	s19 =	sor.u32 $0x80, s18;
	[sflag:s5] =	ssyncadd.s32 $0xFFFFC000  }
0x4c: {  	[tilespmem:s26], [sflag:$0x2] =	stream.indirect.gather [hbm4b:s7+s31], $0x80, s19, s31, $0xb8;
	[tilespmem:$0x1E000] =	vst v63  }
0x4d: {  	s14 =	sor.u32 $0x1000, s18  }
0x4e: {  	[spmem:s3] =	stream.indirect.scatter.add.f32 [tilespmem:s0], [sflag:$0x5], $0x80, s14, s31, $0xb8;
	[tilespmem:$0x1E000] =	vst v63  }
0x4f: {  	s20 =	sand.u32 $0x27, s4;
	_ =	swait.ge [sflag:s25], $0x4000  }
0x50: {  	p0 =	sne.s32 s20, $0x7;
	[sflag:s25] =	ssyncset.done $0x0  }
0x51: {  	s14 =	simm.s32 @!p0 $0x3;
	[sflag:s25] =	ssyncadd.s32 $0xFFFFC000  }
0x52: {  	_ =	swait.ge @!p0 [sflag:s14], $0x800  }
0x53: {  	[sflag:s14] =	ssyncset.done @!p0 $0x0  }
0x54: {  	[sflag:s14] =	ssyncadd.s32 @!p0 $0xFFFFF800  }
0x55: {  	_ =	swait.ge @!p0 [sflag:s14], $0x800  }
0x56: {  	[sflag:s14] =	ssyncset.done @!p0 $0x0  }
0x57: {  	[sflag:s14] =	ssyncadd.s32 @!p0 $0xFFFFF800  }
0x58: {  	_ =	swait.ge [sflag:s28], $0x4000  }
0x59: {  	s14 =	simm.s32 $0x100;
	[sflag:s28] =	ssyncset.done $0x0  }
0x5a: {  	s16 =	sand.u32 $0xF00, s14;
	[sflag:s28] =	ssyncadd.s32 $0xFFFFC000  }
0x5b: {  	[tilespmem:s0], [sflag:$0x1] =	stream.indirect.gather [hbm4b:s7+s31], $0x80, s16, s31, $0xb8;
	[tilespmem:$0x1E000] =	vst v63  }
0x5c: {  	p0 =	por $0x0, $0x0;
	s16 =	sand.u32 $0x7, s4  }
0x5d: {  	s15 =	sor.u32 $0x1000, s19;
	p1 =	sne.s32 @!p0 s16, $0x7  }
0x5e: {  	[spmem:s3] =	stream.indirect.scatter.add.f32 [tilespmem:s26], [sflag:$0x5], $0x80, s15, s31, $0xb8;
	[tilespmem:$0x1E000] =	vst v63  }
0x5f: {  	p1 =	por p1, p0  }
0x60: {  	_ =	swait.ge [sflag:s25], $0x4000;
	s15 =	simm.s32 @!p1 $0x0  }
0x61: {  	s16 =	sadd.s32 @!p1 $0x0, s24;
	s17 =	simm.s32 @!p1 $0x0;
	[sflag:s25] =	ssyncset.done $0x0  }
0x62: {  	s18 =	sand.u32 @!p1 $0x800, s15;
	s15 =	sadd.s32 @!p1 s6, s16;
	[sflag:s25] =	ssyncadd.s32 $0xFFFFC000  }
0x63: {  	[tilespmem:s18], [sflag:$0x3] =	stream.linear.gather @!p1 [hbm4b:s15+s17], $0x800, $0x38;
	[tilespmem:$0x1E000] =	vst v63  }
0x64: {  	s15 =	simm.s32 $0x1;
	s18 =	sor.u32 @!p1 $0x1000, s18  }
.LBB2_2:
0x65: {  	s16 =	sadd.s32 @!p1 s1, s16;
	s19 =	smov.u32 s15;
	s15 =	sadd.s32 $0x1, s15  }
0x66: {  	[tilespmem:s18], [sflag:$0x3] =	stream.linear.gather @!p1 [hbm4b:s16+s17], $0x800, $0x38;
	[tilespmem:$0x1E000] =	vst v63  }
0x67: {  	p0 =	sne.s32 s15, $0x27;
	_ =	swait.ge [sflag:s5], $0x4000  }
0x68: {  	s16 =	sand.u32 $0xF00, s14;
	[sflag:s5] =	ssyncset.done $0x0  }
0x69: {  	s17 =	sor.u32 $0x80, s16;
	[sflag:s5] =	ssyncadd.s32 $0xFFFFC000  }
0x6a: {  	[tilespmem:s26], [sflag:$0x2] =	stream.indirect.gather [hbm4b:s7+s31], $0x80, s17, s31, $0xb8;
	[tilespmem:$0x1E000] =	vst v63  }
0x6b: {  	s16 =	sor.u32 $0x1000, s16  }
0x6c: {  	[spmem:s3] =	stream.indirect.scatter.add.f32 [tilespmem:s0], [sflag:$0x5], $0x80, s16, s31, $0xb8;
	[tilespmem:$0x1E000] =	vst v63  }
0x6d: {  	s16 =	sand.u32 $0x27, s19;
	_ =	swait.ge [sflag:s25], $0x4000  }
0x6e: {  	p1 =	sne.s32 s16, $0x7;
	[sflag:s25] =	ssyncset.done $0x0  }
0x6f: {  	s16 =	simm.s32 @!p1 $0x3;
	[sflag:s25] =	ssyncadd.s32 $0xFFFFC000  }
0x70: {  	_ =	swait.ge @!p1 [sflag:s16], $0x800  }
0x71: {  	[sflag:s16] =	ssyncset.done @!p1 $0x0  }
0x72: {  	[sflag:s16] =	ssyncadd.s32 @!p1 $0xFFFFF800  }
0x73: {  	_ =	swait.ge @!p1 [sflag:s16], $0x800  }
0x74: {  	[sflag:s16] =	ssyncset.done @!p1 $0x0  }
0x75: {  	[sflag:s16] =	ssyncadd.s32 @!p1 $0xFFFFF800  }
0x76: {  	_ =	swait.ge [sflag:s28], $0x4000  }
0x77: {  	s14 =	sadd.s32 $0x100, s14;
	p1 =	sgt.u32 s19, $0x17;
	[sflag:s28] =	ssyncset.done $0x0  }
0x78: {  	s18 =	sand.u32 $0xF00, s14;
	s16 =	sand.u32 $0x7, s19;
	[sflag:s28] =	ssyncadd.s32 $0xFFFFC000  }
0x79: {  	[tilespmem:s0], [sflag:$0x1] =	stream.indirect.gather [hbm4b:s7+s31], $0x80, s18, s31, $0xb8;
	[tilespmem:$0x1E000] =	vst v63  }
0x7a: {  	s17 =	sor.u32 $0x1000, s17;
	p2 =	sne.s32 @!p1 s16, $0x7;
	s16 =	sshrl.u32 s19, $0x3  }
0x7b: {  	[spmem:s3] =	stream.indirect.scatter.add.f32 [tilespmem:s26], [sflag:$0x5], $0x80, s17, s31, $0xb8;
	[tilespmem:$0x1E000] =	vst v63  }
.Ltmp0:
0x7c: {  	p1 =	por p2, p1;
	_ =	swait.ge [sflag:s25], $0x4000;
	(pc) =	sbr.rel @p0 .LBB2_2-.Ltmp0, $4  }
0x7d: {  	s17 =	sshll.u32 @!p1 s16, $0xB;
	s16 =	sshll.u32 @!p1 s16, $0x8;
	[sflag:s25] =	ssyncset.done $0x0  }
0x7e: {  	s19 =	sand.u32 @!p1 $0x800, s17;
	s16 =	sadd.s32 @!p1 s24, s16;
	[sflag:s25] =	ssyncadd.s32 $0xFFFFC000  }
0x7f: {  	s17 =	simm.s32 @!p1 $0x0;
	s20 =	sadd.s32 @!p1 s6, s16;
	s18 =	sor.u32 @!p1 $0x1000, s19  }
0x80: {  	[tilespmem:s19], [sflag:$0x3] =	stream.linear.gather @!p1 [hbm4b:s20+s17], $0x800, $0x38;
	[tilespmem:$0x1E000] =	vst v63  }
0x81: {  	s14 =	sadd.s32 @!p1 s1, s16  }
0x82: {  	[tilespmem:s18], [sflag:$0x3] =	stream.linear.gather @!p1 [hbm4b:s14+s17], $0x800, $0x38;
	[tilespmem:$0x1E000] =	vst v63  }
0x83: {  	_ =	swait.ge [sflag:s5], $0x4000  }
0x84: {  	[sflag:s5] =	ssyncset.done $0x0  }
0x85: {  	s17 =	simm.s32 $0x780;
	[sflag:s5] =	ssyncadd.s32 $0xFFFFC000  }
0x86: {  	[tilespmem:s26], [sflag:$0x2] =	stream.indirect.gather [hbm4b:s7+s31], $0x80, s17, s31, $0xb8;
	[tilespmem:$0x1E000] =	vst v63  }
0x87: {  	s18 =	simm.s32 $0x1700  }
0x88: {  	[spmem:s3] =	stream.indirect.scatter.add.f32 [tilespmem:s0], [sflag:$0x5], $0x80, s18, s31, $0xb8;
	[tilespmem:$0x1E000] =	vst v63  }
0x89: {  	_ =	swait.ge [sflag:s25], $0x4000  }
0x8a: {  	[sflag:s25] =	ssyncset.done $0x0  }
0x8b: {  	[sflag:s25] =	ssyncadd.s32 $0xFFFFC000  }
0x8c: {  	_ =	swait.ge [sflag:s28], $0x4000  }
0x8d: {  	[sflag:s28] =	ssyncset.done $0x0  }
0x8e: {  	s19 =	simm.s32 $0x1780;
	[sflag:s28] =	ssyncadd.s32 $0xFFFFC000  }
0x8f: {  	[spmem:s3] =	stream.indirect.scatter.add.f32 [tilespmem:s26], [sflag:$0x5], $0x80, s19, s31, $0xb8;
	[tilespmem:$0x1E000] =	vst v63  }
0x90: {  	_ =	swait.ge [sflag:s25], $0x4000  }
0x91: {  	[sflag:s25] =	ssyncset.done $0x0  }
0x92: {  	[sflag:s25] =	ssyncadd.s32 $0xFFFFC000  }
0x93: {  	[bflag:$0x0] =	sbarrier.arrive $0xFFFF  }
0x94: {  	s20 =	rddreg [dreg:$0xe]  }
0x95: {  	[hbm:s20], [sflag:s9] =	dma.local [spmem:s8], $0x800  }
0x96: {  	s8 =	rddreg [dreg:$0xf]  }
0x97: {  	[hbm:s8], [sflag:s9] =	dma.local [spmem:s10], $0x800  }
0x98: {  	s8 =	rddreg [dreg:$0x10]  }
0x99: {  	[hbm:s8], [sflag:s9] =	dma.local [spmem:s11], $0x800  }
0x9a: {  	[hbm:s21], [sflag:s9] =	dma.local [spmem:s12], $0x800  }
0x9b: {  	[hbm:s22], [sflag:s9] =	dma.local [spmem:s13], $0x800  }
0x9c: {  	_ =	swait.ge [sflag:s30], $0x800  }
0x9d: {  	[sflag:s30] =	ssyncset.done $0x0  }
0x9e: {  	[sflag:s30] =	ssyncadd.s32 $0xFFFFF800  }
0x9f: {  	_ =	swait.ge [sflag:s30], $0x800  }
0xa0: {  	[sflag:s30] =	ssyncset.done $0x0  }
0xa1: {  	[sflag:s30] =	ssyncadd.s32 $0xFFFFF800  }
0xa2: {  	_ =	swait.ge [sflag:s30], $0x800  }
0xa3: {  	[sflag:s30] =	ssyncset.done $0x0  }
0xa4: {  	s29 =	sadd.s32 $0x1, s29;
	[sflag:s30] =	ssyncadd.s32 $0xFFFFF800  }
0xa5: {  	p0 =	sne.s32 s29, s23;
	_ =	swait.ge [sflag:s30], $0x800  }
.Ltmp1:
0xa6: {  	[sflag:s30] =	ssyncset.done $0x0;
	(pc) =	sbr.rel @p0 .LBB2_1-.Ltmp1, $4  }
0xa7: {  	[sflag:s30] =	ssyncadd.s32 $0xFFFFF800  }
0xa8: {  	_ =	swait.ge [sflag:s30], $0x800  }
0xa9: {  	[sflag:s30] =	ssyncset.done $0x0  }
0xaa: {  	[sflag:s30] =	ssyncadd.s32 $0xFFFFF800  }
0xab: {  	_ =	sfence.sel $0x180000  }
0xac: {  	[bflag:$0x0] =	sbarrier.arrive $0xFFFF  }
0xad: {  	_ =	strace $0x9000004A  }
0xae: {  	s0 =	stileid.u32;
	[bflag:$0x2] =	sbarrier.arrive $0xFFFF  }
0xaf: {  	p0 =	sne.s32 s0, $0x0;
	s0 =	rddreg [dreg:$0x4]  }
0xb0: {  	s0 =	sadd.s32 @!p0 $0x100000, s0  }
0xb1: {  	[sflag:s0] =	ssyncadd.tile.s32 @!p0 $0x1;
	_ =	shalt  }
.Lfunc_end2:
_tile_overlayer_lowered:
.L_overlay_start_2:
0xb2: {  	(tag) =	ssettag $0x2  }
0xb3: {  	s0 =	rddreg [dreg:$0x0];
	s2 =	stileid.u32  }
0xb4: {  	s1 =	rddreg [dreg:$0x1];
	p0 =	sne.s32 s2, $0x0  }
0xb5: {  	s3 =	rddreg [dreg:$0x2];
	[bflag:$0x3] =	sbarrier.arrive $0xFFFF;
	s2 =	simm.s32 @!p0 $0x1C05  }
0xb6: {  	[timem:s3], [sflag:s2] =	dma.local @!p0 [hbm:s0], s1  }
0xb7: {  	s0 =	simm.s32 @!p0 $0x5  }
0xb8: {  	_ =	swait.ge @!p0 [sflag:s0], s1  }
0xb9: {  	s1 =	ssub.s32 @!p0 $0x0, s1;
	[sflag:s0] =	ssyncset.done @!p0 $0x0  }
0xba: {  	[sflag:s0] =	ssyncadd.s32 @!p0 s1  }
0xbb: {  	[bflag:$0x3] =	sbarrier.arrive $0xFFFF  }
0xbc: {  	_ =	shalt  }

// kernel: kernel.7.cloned.1.call-start
scs
__scs_entry_jumppad:
0x0: {  	(pc) =	sbr.rel $0x88, $3  }
0x1: {  	(tag) =	ssettag $0x0;
	lr =	simm.s32 $0x1  }
0x2: {  	[smem:$0x3F8B] =	sst lr;
	_ =	strace $0xD0000000  }
0x3: {  	_ = 	snop  }
0x4: {  	_ = 	snop  }
0x5: {  	_ = 	snop  }
0x6: {  	_ = 	snop  }
0x7: {  	_ = 	snop  }
__scs_overlays_trampoline_lowered:
0x8: {  	[smem:$0x3F9A] =	sst s0  }
0x9: {  	[smem:$0x3F9B] =	sst s1  }
0xa: {  	[smem:$0x3F9C] =	sst s2  }
0xb: {  	[smem:$0x3F9D] =	sst s3  }
0xc: {  	[smem:$0x3F9E] =	sst s4  }
0xd: {  	[smem:$0x3F9F] =	sst s5  }
0xe: {  	[smem:$0x3FA0] =	sst s6  }
0xf: {  	[smem:$0x3FA1] =	sst s7  }
0x10: {  	[smem:$0x3FA2] =	sst s8  }
0x11: {  	[smem:$0x3FA3] =	sst s9;
	s0 =	simm.s32 @!p0 $0x0  }
0x12: {  	s1 =	sld [smem:$0x3F89];
	s0 =	simm.s32 @p0 $0x1  }
0x13: {  	[smem:$0x3FA4] =	sst s0;
	s0 =	simm.s32 @!p1 $0x0  }
0x14: {  	s2 =	sld [smem:$0x3F88];
	s0 =	simm.s32 @p1 $0x1  }
0x15: {  	[smem:$0x3FA5] =	sst s0;
	s0 =	simm.s32 @!p2 $0x0  }
0x16: {  	s3 =	sld [smem:$0x3FDB];
	s0 =	simm.s32 @p2 $0x1  }
0x17: {  	s4 =	simm.s32 $0x1BF5;
	[smem:$0x3FA7] =	sst s0  }
0x18: {  	s0 =	sld [smem:$0x3F8A];
	_ =	swait.ge [sflag:s4], $0x0  }
0x19: {  	s7 =	sld [smem:$0x3F8B]  }
0x1a: {  	s8 =	sadd.s32 $0xFFFFE003, lr  }
0x1b: {  	s9 =	sadd.s32 $0xFFFFFEF7, lr;
	s5 =	simm.s32 $0xFFFFFFFF;
	p2 =	slt.u32 s8, $0xFFFFF086  }
0x1c: {  	p1 =	slt.u32 s9, $0xF7A;
	s5 =	simm.s32 @!p2 $0x0  }
0x1d: {  	s5 =	simm.s32 @p1 $0x1;
	p0 =	seq.s32 s7, s2  }
0x1e: {  	s7 =	smul.u32 @!p0 $0xF7A, s2;
	p2 =	seq.s32 @!p0 s5, $0x0  }
0x1f: {  	s9 =	smul.u32 $0xF7A, s1;
	s8 =	simm.s32 @!p0 $0x1BF5;
	p2 =	por !p2, p0  }
0x20: {  	[sflag:s8] =	ssyncset.s32 @!p0 $0xFFFFF086;
	s6 =	sadd.s32 @!p0 s3, s7;
	s7 =	simm.s32 @!p0 $0x108  }
0x21: {  	s3 =	sadd.s32 s3, s9;
	s6 =	sadd.s32 @!p0 $0x88, s6;
	s7 =	simm.s32 @p2 $0x1082  }
0x22: {  	[simem:s7], [sflag:s8] =	dma.local @!p0 [hbm:s6], $0xF7A  }
0x23: {  	s9 =	sor.u32 $0xD0000000, s2;
	s6 =	simm.s32 $0x108;
	_ =	swait.ge @!p0 [sflag:s8], $0x0  }
0x24: {  	s3 =	sadd.s32 $0x88, s3;
	s6 =	simm.s32 @!p1 $0x1082;
	[sflag:s4] =	ssyncset.s32 $0xFFFFF086  }
0x25: {  	[simem:s6], [sflag:s4] =	dma.local [hbm:s3], $0xF7A  }
0x26: {  	[smem:$0x3F8B] =	sst s1;
	(tag) =	ssettag s2;
	_ =	strace s9  }
0x27: {  	s1 =	sld [smem:$0x3F9B]  }
0x28: {  	s2 =	sld [smem:$0x3F9C]  }
0x29: {  	s4 =	sld [smem:$0x3F9E]  }
0x2a: {  	p0 =	seq.s32 s5, $0x0;
	s5 =	sld [smem:$0x3F9F]  }
0x2b: {  	s6 =	sld [smem:$0x3FA0]  }
0x2c: {  	s7 =	sld [smem:$0x3FA1]  }
0x2d: {  	s3 =	simm.s32 $0x108;
	s8 =	sld [smem:$0x3FA2]  }
0x2e: {  	s3 =	simm.s32 @!p0 $0x1082;
	s9 =	sld [smem:$0x3FA3]  }
0x2f: {  	lr =	sadd.s32 s0, s3;
	s0 =	sld [smem:$0x3F9A]  }
0x30: {  	s3 =	sld [smem:$0x3F9D]  }
0x31: {  	[smem:$0x3FA6] =	sst s10  }
0x32: {  	s10 =	sld [smem:$0x3FA4];
	_ =	sdelay $0x3  }
0x33: {  	p0 =	seq.s32 s10, $0x1;
	s10 =	sld [smem:$0x3FA6];
	_ =	sdelay $0x3  }
0x34: {  	[smem:$0x3FA6] =	sst s10  }
0x35: {  	s10 =	sld [smem:$0x3FA5];
	_ =	sdelay $0x3  }
0x36: {  	p1 =	seq.s32 s10, $0x1;
	s10 =	sld [smem:$0x3FA6];
	_ =	sdelay $0x3  }
0x37: {  	[smem:$0x3FA6] =	sst s10  }
0x38: {  	s10 =	sld [smem:$0x3FA7]  }
0x39: {  	_ = 	snop;
	(pc) =	sbr.ind lr, $3  }
0x3a: {  	_ = 	snop  }
0x3b: {  	_ = 	snop  }
0x3c: {  	p2 =	seq.s32 s10, $0x1;
	s10 =	sld [smem:$0x3FA6]  }
0x3d: {  	_ =	shalt  }
0x3e: {  	_ =	shalt  }
0x3f: {  	_ =	shalt  }
0x40: {  	_ =	shalt  }
0x41: {  	_ =	shalt  }
0x42: {  	_ =	shalt  }
0x43: {  	_ =	shalt  }
0x44: {  	_ =	shalt  }
0x45: {  	_ =	shalt  }
0x46: {  	_ =	shalt  }
0x47: {  	_ =	shalt  }
0x48: {  	_ =	shalt  }
0x49: {  	_ =	shalt  }
0x4a: {  	_ =	shalt  }
0x4b: {  	_ =	shalt  }
0x4c: {  	_ =	shalt  }
0x4d: {  	_ =	shalt  }
0x4e: {  	_ =	shalt  }
0x4f: {  	_ =	shalt  }
0x50: {  	_ =	shalt  }
0x51: {  	_ =	shalt  }
0x52: {  	_ =	shalt  }
0x53: {  	_ =	shalt  }
0x54: {  	_ =	shalt  }
0x55: {  	_ =	shalt  }
0x56: {  	_ =	shalt  }
0x57: {  	_ =	shalt  }
0x58: {  	_ =	shalt  }
0x59: {  	_ =	shalt  }
0x5a: {  	_ =	shalt  }
0x5b: {  	_ =	shalt  }
0x5c: {  	_ =	shalt  }
0x5d: {  	_ =	shalt  }
0x5e: {  	_ =	shalt  }
0x5f: {  	_ =	shalt  }
0x60: {  	_ =	shalt  }
0x61: {  	_ =	shalt  }
0x62: {  	_ =	shalt  }
0x63: {  	_ =	shalt  }
0x64: {  	_ =	shalt  }
0x65: {  	_ =	shalt  }
0x66: {  	_ =	shalt  }
0x67: {  	_ =	shalt  }
0x68: {  	_ =	shalt  }
0x69: {  	_ =	shalt  }
0x6a: {  	_ =	shalt  }
0x6b: {  	_ =	shalt  }
0x6c: {  	_ =	shalt  }
0x6d: {  	_ =	shalt  }
0x6e: {  	_ =	shalt  }
0x6f: {  	_ =	shalt  }
0x70: {  	_ =	shalt  }
0x71: {  	_ =	shalt  }
0x72: {  	_ =	shalt  }
0x73: {  	_ =	shalt  }
0x74: {  	_ =	shalt  }
0x75: {  	_ =	shalt  }
0x76: {  	_ =	shalt  }
0x77: {  	_ =	shalt  }
0x78: {  	_ =	shalt  }
0x79: {  	_ =	shalt  }
0x7a: {  	_ =	shalt  }
0x7b: {  	_ =	shalt  }
0x7c: {  	_ =	shalt  }
0x7d: {  	_ =	shalt  }
0x7e: {  	_ =	shalt  }
0x7f: {  	_ =	shalt  }
0x80: {  	_ =	shalt  }
0x81: {  	_ =	shalt  }
0x82: {  	_ =	shalt  }
0x83: {  	_ =	shalt  }
0x84: {  	_ =	shalt  }
0x85: {  	_ =	shalt  }
0x86: {  	_ =	shalt  }
0x87: {  	_ =	shalt  }
.Lfunc_end0:
.L_simem_size_0:
called_computation_lowered:
.L_overlay_start_0:
0x88: {  	s2 =	sld [smem:$0x3FD9]  }
0x89: {  	s3 =	sld [smem:$0x3FFE];
	_ =	sdelay $0x1  }
0x8a: {  	s1 =	srdreg.scid  }
0x8b: {  	s0 =	sand.u32 $0x1, s1  }
0x8c: {  	s14 =	sshll.u32 s0, $0xA;
	s2 =	sadd.s32 s3, s2  }
0x8d: {  	s2 =	sadd.s32 s2, s14  }
0x8e: {  	[smem:$0x3FB2] =	sst s2  }
0x8f: {  	_ = 	snop  }
0x90: {  	s2 =	sld [smem:$0x3FD0];
	_ =	sdelay $0x2  }
0x91: {  	s15 =	simm.s32 $0xA;
	s4 =	simm.s32 $0x10  }
0x92: {  	[smem:s4], [sflag:s15] =	dma.local [hbm:s2], $0x1  }
0x93: {  	_ =	swait.eq [sflag:s15], $0x1  }
0x94: {  	[sflag:s15] =	ssyncset.done $0x0  }
0x95: {  	s16 =	sld [smem:$0x10];
	[sflag:s15] =	ssyncadd.s32 $0xFFFFFFFF  }
0x96: {  	s17 =	sld [smem:$0x11];
	(tm) =	ssettm $0x1  }
0x97: {  	s18 =	sld [smem:$0x3FFB];
	_ =	sdelay $0x3  }
0x98: {  	_ =	strace s18  }
0x99: {  	s4 =	sld [smem:$0x3FFC];
	_ =	sdelay $0x3  }
0x9a: {  	_ =	strace s4  }
0x9b: {  	s4 =	sld [smem:$0x3FFD];
	_ =	sdelay $0x3  }
0x9c: {  	_ =	strace s4  }
0x9d: {  	_ =	strace $0x8FFFFFFF  }
0x9e: {  	s19 =	sld [smem:$0x3FDB];
	_ =	sdelay $0x1  }
0x9f: {  	s5 =	simm.s32 $_scs_section_size  }
0xa0: {  	s6 =	simm.s32 $_size__tile_overlayer_lowered;
	s7 =	simm.s32 $_tile_overlayer_lowered  }
0xa1: {  	s22 =	simm.s32 $0x1BFF;
	s21 =	sshll.u32 s7, $0x1;
	s4 =	sadd.s32 s5, s19  }
0xa2: {  	s8 =	simm.s32 $0x0;
	s20 =	sshll.u32 s6, $0x1;
	s6 =	sadd.s32 s21, s4  }
0xa3: {  	[timem:s8], [sflag:s22] =	dma.local [hbm:s6], s20  }
0xa4: {  	_ =	swait.ge [sflag:s22], s20  }
0xa5: {  	s5 =	ssub.s32 $0x0, s20;
	[sflag:s22] =	ssyncset.done $0x0  }
0xa6: {  	[sflag:s22] =	ssyncadd.s32 s5;
	_ =	sdelay $0x1  }
0xa7: {  	s23 =	simm.s32 $0x1B8B  }
0xa8: {  	_ =	swait.ge [sflag:s23], $0x1  }
0xa9: {  	[sflag:s23] =	ssyncset.done $0x0  }
0xaa: {  	s25 =	simm.s32 $0x1B8E;
	s24 =	sld [smem:$0x3FFE];
	[sflag:s23] =	ssyncadd.s32 $0xFFFFFFFF  }
0xab: {  	s26 =	simm.s32 $execute0_lowered;
	[smem:$0x3FD2] =	sst s25  }
0xac: {  	s6 =	sshll.u32 s26, $0x1;
	_ =	strace $0x80000046;
	[dreg:$0x1] =	wrdreg $0xFFFFFFFF  }
0xad: {  	s28 =	simm.s32 $_size_execute0_lowered;
	s4 =	sadd.s32 s4, s6;
	[dreg:$0x0] =	wrdreg $0x0  }
0xae: {  	s6 =	sshll.u32 s28, $0x1;
	[dreg:$0x2] =	wrdreg s4  }
0xaf: {  	[dreg:$0x3] =	wrdreg s6  }
0xb0: {  	[dreg:$0x4] =	wrdreg $0xC0  }
0xb1: {  	_ =	task [dreg:s8], $0x5FFFF  }
0xb2: {  	[dreg:$0x1] =	wrdreg $0xFFFFFFFF  }
0xb3: {  	[dreg:$0x0] =	wrdreg $0x60  }
0xb4: {  	[dreg:$0x2] =	wrdreg s17  }
0xb5: {  	[dreg:$0x3] =	wrdreg s16  }
0xb6: {  	[dreg:$0x4] =	wrdreg s24  }
0xb7: {  	[dreg:$0x5] =	wrdreg $0x30000  }
0xb8: {  	[dreg:$0x6] =	wrdreg $0x9  }
0xb9: {  	_ =	task.clear_ibuf [dreg:s8], $0x7FFFF;
	_ =	strace $0x90000046  }
0xba: {  	s29 =	simm.s32 $0x9;
	_ =	strace $0x80000048  }
0xbb: {  	_ =	swait.ge [sflag:s29], $0x1  }
0xbc: {  	[sflag:s29] =	ssyncadd.s32 $0xFFFFFFFF  }
0xbd: {  	_ =	strace $0x90000048  }
0xbe: {  	_ =	sfence  }
0xbf: {  	s30 =	sld [smem:$0x0];
	_ =	sdelay $0x2  }
0xc0: {  	s31 =	sshll.u32 s1, $0xD;
	s1 =	sshrl.u32 s1, $0x2  }
0xc1: {  	s3 =	sand.u32 $0x4000, s31;
	s1 =	sadd.s32 s1, s30  }
0xc2: {  	s0 =	sor.u32 s3, s0;
	s1 =	sshll.u32 s1, $0x11  }
0xc3: {  	s0 =	sor.u32 s1, s0  }
0xc4: {  	s0 =	sadd.s32 $0x8F2B, s0  }
0xc5: {  	[sflag:s0] =	ssyncadd.remote.s32 $0x1  }
0xc6: {  	_ =	sfence.sel $0xFFFF  }
0xc7: {  	[dreg:$0x0] =	wrdreg $0xFFFFFFFF;
	(pc) =	sbr.abs _section_cstart, $3  }
0xc8: {  	[dreg:$0x1] =	wrdreg $0xFFFFFFFF  }
0xc9: {  	_ =	task.clear_ibuf [dreg:s8], $0x2FFFF;
	_ =	strace $0x9FFFFFFF  }
0xca: {  	(tm) =	ssettm $0x7FFFFFFF  }
0xcb: {  	_ =	shalt  }
tec
execute0_lowered:
.L_overlay_start_1:
0x0: {  	(tag) =	ssettag $0x1  }
0x1: {  	s7 =	rddreg [dreg:$0x0]  }
0x2: {  	s1 =	rddreg [dreg:$0x1]  }
0x3: {  	s6 =	rddreg [dreg:$0x2];
	s2 =	srdreg.scid  }
0x4: {  	s0 =	stileid.u32;
	s3 =	rddreg [dreg:$0x3]  }
0x5: {  	s4 =	simm.s32 $0x0;
	s8 =	sand.u32 $0x1, s2;
	s2 =	rddreg [dreg:$0x4]  }
0x6: {  	s18 =	simm.s32 $0x0;
	s9 =	smul.u32 $0x2800, s0;
	[smem:$0x7FF] =	sst s4  }
0x7: {  	s13 =	smul.u32 $0xA000, s0;
	s29 =	sshll.u32 s0, $0x1;
	s30 =	sshll.u32 s0, $0x6  }
0x8: {  	s5 =	smul.u32 $0x28000, s8;
	_ =	strace $0x80000047;
	s10 =	ssub.s32 $0x2, s8  }
0x9: {  	s8 =	sor.u32 s8, s29;
	s12 =	sshrl.u32 s10, $0x1;
	s26 =	sadd.s32 s9, s3  }
0xa: {  	s28 =	sshrl.u32 s13, $0x2;
	s8 =	smul.u32 $0x500, s8;
	s5 =	sadd.s32 s9, s5  }
0xb: {  	s10 =	ssub.s32 s10, s12;
	s14 =	sadd.s32 s28, s3;
	s11 =	sshrl.u32 s5, $0x3  }
0xc: {  	s5 =	sadd.s32 $0xE400, s6;
	s31 =	sadd.s32 $0x800, s14;
	s15 =	sadd.s32 $0x1000, s14  }
0xd: {  	s16 =	sadd.s32 $0x1800, s14;
	s17 =	sadd.s32 $0x2000, s14;
	s7 =	sadd.s32 s7, s8  }
0xe: {  	s9 =	smax.u32 s10, $0x1;
	s10 =	sshrl.u32 s26, $0x3;
	s11 =	sadd.s32 s11, s6  }
0xf: {  	s6 =	sor.u32 $0x1C01, s30;
	s12 =	sshrl.u32 s31, $0x3;
	s13 =	sshrl.u32 s15, $0x3  }
0x10: {  	s14 =	sshrl.u32 s16, $0x3;
	s15 =	sshrl.u32 s17, $0x3;
	s16 =	simm.s32 $0x2800  }
0x11: {  	s17 =	simm.s32 $0x80;
	s8 =	sadd.s32 $0xE600, s11;
	s11 =	simm.s32 $0x1  }
.LBB2_1:
0x12: {  	[spmem:s10], [sflag:s6] =	dma.local [hbm:s1], $0x100  }
0x13: {  	_ =	swait.ge [sflag:s11], $0x100  }
0x14: {  	[sflag:s11] =	ssyncset.done $0x0  }
0x15: {  	[sflag:s11] =	ssyncadd.s32 $0xFFFFFF00  }
0x16: {  	[spmem:s12], [sflag:s6] =	dma.local [hbm:s1], $0x100  }
0x17: {  	_ =	swait.ge [sflag:s11], $0x100  }
0x18: {  	[sflag:s11] =	ssyncset.done $0x0  }
0x19: {  	[sflag:s11] =	ssyncadd.s32 $0xFFFFFF00  }
0x1a: {  	[spmem:s13], [sflag:s6] =	dma.local [hbm:s1], $0x100  }
0x1b: {  	_ =	swait.ge [sflag:s11], $0x100  }
0x1c: {  	[sflag:s11] =	ssyncset.done $0x0  }
0x1d: {  	[sflag:s11] =	ssyncadd.s32 $0xFFFFFF00  }
0x1e: {  	[spmem:s14], [sflag:s6] =	dma.local [hbm:s1], $0x100  }
0x1f: {  	_ =	swait.ge [sflag:s11], $0x100  }
0x20: {  	[sflag:s11] =	ssyncset.done $0x0  }
0x21: {  	[sflag:s11] =	ssyncadd.s32 $0xFFFFFF00  }
0x22: {  	[spmem:s15], [sflag:s6] =	dma.local [hbm:s1], $0x100  }
0x23: {  	_ =	swait.ge [sflag:s11], $0x100  }
0x24: {  	[sflag:s11] =	ssyncset.done $0x0  }
0x25: {  	[sflag:s11] =	ssyncadd.s32 $0xFFFFFF00  }
0x26: {  	[tilespmem:s16], [sflag:$0x1] =	stream.linear.gather [hbm4b:s5+s4], $0x800, $0x38;
	[tilespmem:$0x5800] =	vst v63  }
0x27: {  	_ =	swait.ge [sflag:s11], $0x800  }
0x28: {  	[sflag:s11] =	ssyncset.done $0x0  }
0x29: {  	[sflag:s11] =	ssyncadd.s32 $0xFFFFF800  }
0x2a: {  	[tilespmem:s4], [sflag:$0x1] =	stream.linear.gather [hbm4b:s7+s4], $0x2800, $0x38;
	[tilespmem:$0x5800] =	vst v63  }
0x2b: {  	_ =	swait.ge [sflag:s11], $0x2800  }
0x2c: {  	[sflag:s11] =	ssyncset.done $0x0  }
0x2d: {  	[sflag:s11] =	ssyncadd.s32 $0xFFFFD800  }
0x2e: {  	s19 =	simm.s32 $0x0;
	[bflag:$0x0] =	sbarrier.arrive $0xFFFF  }
0x2f: {  	[spmem:s3] =	stream.indirect.scatter.add.f32 [tilespmem:s16], [sflag:$0x1], $0x10, s19, s17, $0xb8;
	[tilespmem:$0x5800] =	vst v63  }
0x30: {  	_ =	swait.ge [sflag:s11], $0x800  }
0x31: {  	s19 =	simm.s32 $0x200;
	[sflag:s11] =	ssyncset.done $0x0  }
.LBB2_2:
0x32: {  	s20 =	sshra.s32 s19, $0x2;
	[sflag:s11] =	ssyncadd.s32 $0xFFFFF800;
	p0 =	sne.s32 s19, $0x9E00  }
0x33: {  	[spmem:s3] =	stream.indirect.scatter.add.f32 [tilespmem:s16], [sflag:$0x1], $0x10, s20, s17, $0xb8;
	[tilespmem:$0x5800] =	vst v63  }
.Ltmp0:
0x34: {  	_ = 	snop;
	(pc) =	sbr.rel @p0 .LBB2_2-.Ltmp0, $4  }
0x35: {  	_ = 	snop  }
0x36: {  	s19 =	sadd.s32 $0x200, s19  }
0x37: {  	_ =	swait.ge [sflag:s11], $0x800  }
0x38: {  	[sflag:s11] =	ssyncset.done $0x0  }
0x39: {  	s18 =	sadd.s32 $0x1, s18  }
0x3a: {  	[sflag:s11] =	ssyncadd.s32 $0xFFFFF800;
	p0 =	sne.s32 s18, s9  }
.Ltmp1:
0x3b: {  	[bflag:$0x0] =	sbarrier.arrive $0xFFFF;
	(pc) =	sbr.rel @p0 .LBB2_1-.Ltmp1, $4  }
0x3c: {  	[hbm:s8], [sflag:s6] =	dma.local [spmem:s10], $0x500  }
0x3d: {  	_ =	swait.ge [sflag:s11], $0x500  }
0x3e: {  	[sflag:s11] =	ssyncset.done $0x0  }
0x3f: {  	[sflag:s11] =	ssyncadd.s32 $0xFFFFFB00  }
0x40: {  	_ =	sfence.sel $0x180000  }
0x41: {  	[bflag:$0x0] =	sbarrier.arrive $0xFFFF  }
0x42: {  	p0 =	sne.s32 s0, $0x0;
	_ =	strace $0x90000047  }
0x43: {  	s0 =	sadd.s32 @!p0 $0x100000, s2;
	[bflag:$0x2] =	sbarrier.arrive $0xFFFF  }
0x44: {  	[sflag:s0] =	ssyncadd.tile.s32 @!p0 $0x1;
	_ =	shalt  }
.Lfunc_end2:
_tile_overlayer_lowered:
.L_overlay_start_2:
0x45: {  	(tag) =	ssettag $0x2  }
0x46: {  	s0 =	rddreg [dreg:$0x0];
	s2 =	stileid.u32  }
0x47: {  	s1 =	rddreg [dreg:$0x1];
	p0 =	sne.s32 s2, $0x0  }
0x48: {  	s3 =	rddreg [dreg:$0x2];
	[bflag:$0x3] =	sbarrier.arrive $0xFFFF;
	s2 =	simm.s32 @!p0 $0x1C01  }
0x49: {  	[timem:s3], [sflag:s2] =	dma.local @!p0 [hbm:s0], s1  }
0x4a: {  	s0 =	simm.s32 @!p0 $0x1  }
0x4b: {  	_ =	swait.ge @!p0 [sflag:s0], s1  }
0x4c: {  	s1 =	ssub.s32 @!p0 $0x0, s1;
	[sflag:s0] =	ssyncset.done @!p0 $0x0  }
0x4d: {  	[sflag:s0] =	ssyncadd.s32 @!p0 s1  }
0x4e: {  	[bflag:$0x3] =	sbarrier.arrive $0xFFFF  }
0x4f: {  	_ =	shalt  }

</sc_bundles>
